<compile_context>
chip_gen: v7x
topology: tpu7x:2x2x1
jax: 0.10.2.dev20260603
libtpu: 0.0.44.dev20260713+nightly
codegen_flags: <defaults>
</compile_context>

<pallas_src>
import functools

import jax
import jax.numpy as jnp
from jax import lax
from jax.experimental import pallas as pl
from jax.experimental.pallas import tpu as pltpu
from jax.experimental.pallas import tpu_sc as plsc

N = 10000
E = 320000
D = 128
R = 3
NB = 2

NC = 2
NS = 16
L = 16

K = 128
CH = 160
EPW = CH * K
EPAD = NS * EPW

SELCAP = EPW + 1064
NBUF = 2
PACK = 16384
PADPACK = 16000

HALF = 5120
NPADC = 5248
ZPT = NPADC // NS
OPT = HALF // NS
JUNKL = HALF

BN = 1000



def _hs_body(wc_ref, x_ref, w_ref, o_ref):
    r = pl.program_id(0)
    w = wc_ref[r, 0] * w_ref[0] + wc_ref[r, 1] * w_ref[1]
    o_ref[...] = jnp.dot(x_ref[...], w, preferred_element_type=jnp.float32)


def _hs_transform(x, weight, w_comp):
    nblk = N // BN
    return pl.pallas_call(
        _hs_body,
        grid=(R, nblk),
        in_specs=[
            pl.BlockSpec(memory_space=pltpu.SMEM),
            pl.BlockSpec((BN, D), lambda r, n: (n, 0)),
            pl.BlockSpec((NB, D, D), lambda r, n: (0, 0, 0)),
        ],
        out_specs=pl.BlockSpec((BN, D), lambda r, n: (r * nblk + n, 0)),
        out_shape=jax.ShapeDtypeStruct((R * N, D), jnp.float32),
    )(w_comp, x, weight)



def _pack_body(src_ref, et_ref, dst_ref, o_ref):
    o_ref[...] = (et_ref[...] * N + src_ref[...]) * PACK + dst_ref[...]


def _pack_transform(src_m, et_m, dst_m):
    return pl.pallas_call(
        _pack_body,
        out_shape=jax.ShapeDtypeStruct(src_m.shape, jnp.int32),
    )(src_m, et_m, dst_m)



def _sc_body(hs_h, pk_h, zero_h, out_h,
             pk_v, sel_p, gbuf_v, cidx_v, rows_v,
             acc, gsem0, gsem1, ssem0, ssem1):
    c = lax.axis_index("c")
    s = lax.axis_index("s")

    pltpu.sync_copy(pk_h.at[s], pk_v)

    pltpu.sync_copy(zero_h.at[pl.ds(s * ZPT, ZPT)], acc.at[pl.ds(s * ZPT, ZPT)])

    plsc.subcore_barrier()

    lo = c * HALF

    def cbody(j, n):
        for k in range(K // L):
            pvec = pk_v[j, pl.ds(k * L, L)]
            dvec = pvec & (PACK - 1)
            mask = (dvec >= lo) & (dvec < lo + HALF)
            plsc.store_compressed(sel_p.at[pl.ds(n, L)], pvec, mask=mask)
            n = n + plsc.all_reduce_population_count(mask)[0]
        return n

    n = lax.fori_loop(0, CH, cbody, jnp.int32(0))

    jvec = jnp.zeros((L,), jnp.int32) + (lo + JUNKL)

    def jbody(i, carry):
        sel_p[pl.ds(n + i * L, L)] = jvec
        return carry

    lax.fori_loop(0, 65, jbody, 0)

    nq = (n + (K - 1)) // K
    mq = jnp.maximum((nq + 1) // 2 * 2, 4)

    gsems = (gsem0, gsem1)
    ssems = (ssem0, ssem1)

    def unpack(j, b):
        for k in range(K // L):
            pvec = sel_p[pl.ds(j * K + k * L, L)]
            gbuf_v[b, pl.ds(k * L, L)] = lax.shift_right_logical(pvec, 14)
            cidx_v[b, pl.ds(k * L, L)] = (pvec & (PACK - 1)) - lo

    def g_desc(j, b):
        return pltpu.make_async_copy(hs_h.at[gbuf_v.at[b]], rows_v.at[b], gsems[b])

    def s_desc(j, b):
        return pltpu.make_async_copy(rows_v.at[b], acc.at[cidx_v.at[b]], ssems[b])

    unpack(0, 0)
    g_desc(0, 0).start()
    g_desc(0, 0).wait()
    unpack(1, 1)
    g_desc(1, 1).start()
    s_desc(0, 0).start(add=True)

    def steady(i, carry):
        j1 = 2 * i + 1
        g_desc(j1, 1).wait()
        s_desc(j1 - 1, 0).wait()
        unpack(j1 + 1, 0)
        g_desc(j1 + 1, 0).start()
        s_desc(j1, 1).start(add=True)
        j2 = 2 * i + 2
        g_desc(j2, 0).wait()
        s_desc(j2 - 1, 1).wait()
        unpack(j2 + 1, 1)
        g_desc(j2 + 1, 1).start()
        s_desc(j2, 0).start(add=True)
        return carry

    lax.fori_loop(0, (mq - 2) // 2, steady, 0)

    g_desc(mq - 1, 1).wait()
    s_desc(mq - 1, 1).start(add=True)
    s_desc(mq - 2, 0).wait()
    s_desc(mq - 1, 1).wait()

    plsc.subcore_barrier()

    pltpu.sync_copy(acc.at[pl.ds(s * OPT, OPT)], out_h.at[c, pl.ds(s * OPT, OPT)])


@functools.lru_cache(maxsize=1)
def _sc_gather_scatter():
    return pl.kernel(
        _sc_body,
        out_type=jax.ShapeDtypeStruct((NC, HALF, D), jnp.float32),
        mesh=plsc.VectorSubcoreMesh(
            core_axis_name="c", subcore_axis_name="s",
            num_cores=NC, num_subcores=NS),
        scratch_types=[
            pltpu.VMEM((CH, K), jnp.int32),
            pltpu.VMEM((SELCAP,), jnp.int32),
            pltpu.VMEM((NBUF, K), jnp.int32),
            pltpu.VMEM((NBUF, K), jnp.int32),
            pltpu.VMEM((NBUF, K, D), jnp.float32),
            pltpu.VMEM_SHARED((NPADC, D), jnp.float32),
            pltpu.SemaphoreType.DMA,
            pltpu.SemaphoreType.DMA,
            pltpu.SemaphoreType.DMA,
            pltpu.SemaphoreType.DMA,
        ],
        compiler_params=pltpu.CompilerParams(
            use_tc_tiling_on_sc=False, needs_layout_passes=False),
    )



def kernel(x, edge_index, etypes, weight, w_comp, h_bias):
    src = edge_index[0].astype(jnp.int32)
    dst = edge_index[1].astype(jnp.int32)
    et = etypes.astype(jnp.int32)

    packed = _pack_transform(src.reshape(2500, K), et.reshape(2500, K),
                             dst.reshape(2500, K)).reshape(E)
    pad = EPAD - E
    pk_p = jnp.concatenate(
        [packed, jnp.full((pad,), PADPACK, jnp.int32)]).reshape(NS, CH, K)

    hs = _hs_transform(x, weight, w_comp)
    zero = jnp.zeros((NPADC, D), jnp.float32)
    parts = _sc_gather_scatter()(hs, pk_p, zero)
    return parts.reshape(NC * HALF, D)[:N] + h_bias

# --- scband reference (transcript-rebuilt; emitter-appended) ---
"""Pipeline reference for scband-rel-graph-conv-hetero-61478161874989 (READ-ONLY COPY).

The authoritative reference and input builder live on the scoring server;
editing this copy changes nothing except your own understanding.
"""

import jax, jax.numpy as jnp
import numpy as np

N_NODES = 10000
N_EDGES = 320000
IN_FEAT = 128
OUT_FEAT = 128
NUM_RELS = 3
NUM_BASES = 2


def setup_inputs(seed: int = 0) -> dict:
    key = jax.random.key(seed)
    k_x, k_ei, k_et, k_w, k_wc = jax.random.split(key, 5)
    x = jax.random.normal(k_x, (N_NODES, IN_FEAT), dtype=jnp.float32)
    edge_index = jax.random.randint(k_ei, (2, N_EDGES), 0, N_NODES, dtype=jnp.int64)
    etypes = jax.random.randint(k_et, (N_EDGES,), 0, NUM_RELS, dtype=jnp.int64)
    # basis weights (xavier-uniform style init)
    gain = float(np.sqrt(2.0))
    bound_w = gain * float(np.sqrt(6.0 / (IN_FEAT + OUT_FEAT)))
    weight = jax.random.uniform(k_w, (NUM_BASES, IN_FEAT, OUT_FEAT), dtype=jnp.float32, minval=-bound_w, maxval=bound_w)
    bound_c = gain * float(np.sqrt(6.0 / (NUM_RELS + NUM_BASES)))
    w_comp = jax.random.uniform(k_wc, (NUM_RELS, NUM_BASES), dtype=jnp.float32, minval=-bound_c, maxval=bound_c)
    h_bias = jnp.zeros((OUT_FEAT,), dtype=jnp.float32)
    return {"x": x, "edge_index": edge_index, "etypes": etypes, "weight": weight, "w_comp": w_comp, "h_bias": h_bias}


def reference(x, edge_index, etypes, weight, w_comp, h_bias):
    # basis_weight(): compose per-relation weights from bases
    nb, din, dout = weight.shape
    R = w_comp.shape[0]
    w_full = jnp.matmul(w_comp, weight.reshape(nb, din * dout)).reshape(R, din, dout)
    # per-relation source transform: h_r = x @ W_r for every relation (as in original forward)
    hs = jnp.einsum('nd,rdo->rno', x, w_full)
    src = edge_index[0]
    dst = edge_index[1]
    # copy_u message per edge according to its relation type, then sum-aggregate at dst
    msg = hs[etypes, src]
    out = jax.ops.segment_sum(msg, dst, num_segments=x.shape[0])
    # bias; no self-loop, no activation, dropout=0.0 (identity)
    out = out + h_bias
    return out

if __name__ == "__main__":
    import jax
    _d = setup_inputs()
    print(jax.jit(kernel)(*tuple(_d.values())))

</pallas_src>

<mosaic_0001>
#map = affine_map<(d0, d1) -> (0, 0)>
#map1 = affine_map<(d0, d1) -> (0, 0, 0)>
module attributes {stable_mosaic.version = 14 : i64} {
  func.func @_sc_body(%arg0: i32, %arg1: i32, %arg2: memref<30000x128xf32, #tpu.memory_space<hbm>>, %arg3: memref<16x160x128xi32, #tpu.memory_space<hbm>>, %arg4: memref<5248x128xf32, #tpu.memory_space<hbm>>, %arg5: memref<2x5120x128xf32, #tpu.memory_space<hbm>>, %arg6: memref<160x128xi32, #tpu.memory_space<vmem>>, %arg7: memref<21544xi32, #tpu.memory_space<vmem>>, %arg8: memref<2x128xi32, #tpu.memory_space<vmem>>, %arg9: memref<2x128xi32, #tpu.memory_space<vmem>>, %arg10: memref<2x128x128xf32, #tpu.memory_space<vmem>>, %arg11: memref<5248x128xf32, #tpu.memory_space<vmem_shared>>, %arg12: memref<!tpu.dma_semaphore, #tpu.memory_space<semaphore_mem>>, %arg13: memref<!tpu.dma_semaphore, #tpu.memory_space<semaphore_mem>>, %arg14: memref<!tpu.dma_semaphore, #tpu.memory_space<semaphore_mem>>, %arg15: memref<!tpu.dma_semaphore, #tpu.memory_space<semaphore_mem>>) attributes {dimension_semantics = [#tpu.dimension_semantics<core_parallel>, #tpu.dimension_semantics<subcore_parallel>], iteration_bounds = array<i64: 2, 16>, scalar_prefetch = 0 : i64, scratch_operands = 10 : i64, tpu.core_type = #tpu.core_type<sc_vector_subcore>, window_params = [{transform_indices = #map}, {transform_indices = #map1}, {transform_indices = #map}, {transform_indices = #map1}]} {
    "tpu.region"() ({
      %run_scoped3A = tpu.sem_alloc : memref<!tpu.dma_semaphore, #tpu.memory_space<semaphore_mem>>
      %dma_start3A_495 = arith.constant 0 : i32
      %dma_start3A_496 = arith.constant 0 : i32
      %dma_start3A_497 = tpu.memref_slice %arg3[%arg1, %dma_start3A_495, %dma_start3A_496] : memref<16x160x128xi32, #tpu.memory_space<hbm>> -> memref<1x160x128xi32, #tpu.memory_space<hbm>>
      %dma_start3A_498 = tpu.memref_squeeze %dma_start3A_497 : memref<1x160x128xi32, #tpu.memory_space<hbm>> -> memref<160x128xi32, #tpu.memory_space<hbm>>
      %dma_start3A_499 = arith.constant 0 : i32
      %dma_start3A_500 = arith.constant 0 : i32
      %dma_start3A_501 = tpu.memref_slice %arg3[%arg1, %dma_start3A_499, %dma_start3A_500] : memref<16x160x128xi32, #tpu.memory_space<hbm>> -> memref<1x160x128xi32, #tpu.memory_space<hbm>>
      %dma_start3A_502 = tpu.memref_squeeze %dma_start3A_501 : memref<1x160x128xi32, #tpu.memory_space<hbm>> -> memref<160x128xi32, #tpu.memory_space<hbm>>
      tpu.enqueue_dma source(%dma_start3A_502 : memref<160x128xi32, #tpu.memory_space<hbm>>) target(%arg6 : memref<160x128xi32, #tpu.memory_space<vmem>>) target_semaphore(%run_scoped3A : memref<!tpu.dma_semaphore, #tpu.memory_space<semaphore_mem>>)
      %dma_wait3A_503 = arith.constant 0 : i32
      %dma_wait3A_504 = arith.constant 0 : i32
      %dma_wait3A_505 = tpu.memref_slice %arg3[%arg1, %dma_wait3A_503, %dma_wait3A_504] : memref<16x160x128xi32, #tpu.memory_space<hbm>> -> memref<1x160x128xi32, #tpu.memory_space<hbm>>
      %dma_wait3A_506 = tpu.memref_squeeze %dma_wait3A_505 : memref<1x160x128xi32, #tpu.memory_space<hbm>> -> memref<160x128xi32, #tpu.memory_space<hbm>>
      %dma_wait3A_507 = arith.constant 0 : i32
      %dma_wait3A_508 = arith.constant 0 : i32
      %dma_wait3A_509 = tpu.memref_slice %arg3[%arg1, %dma_wait3A_507, %dma_wait3A_508] : memref<16x160x128xi32, #tpu.memory_space<hbm>> -> memref<1x160x128xi32, #tpu.memory_space<hbm>>
      %dma_wait3A_510 = tpu.memref_squeeze %dma_wait3A_509 : memref<1x160x128xi32, #tpu.memory_space<hbm>> -> memref<160x128xi32, #tpu.memory_space<hbm>>
      tpu.wait_dma2 semaphore(%run_scoped3A : memref<!tpu.dma_semaphore, #tpu.memory_space<semaphore_mem>>) src(%dma_wait3A_510 : memref<160x128xi32, #tpu.memory_space<hbm>>) dst(%arg6 : memref<160x128xi32, #tpu.memory_space<vmem>>)
      tpu.yield
    }) : () -> ()
    %mul3A = arith.constant 328 : i32
    %mul3A_0 = arith.muli %arg1, %mul3A : i32
    %mul3A_1 = arith.constant 328 : i32
    %mul3A_2 = arith.muli %arg1, %mul3A_1 : i32
    "tpu.region"() ({
      %run_scoped3A = tpu.sem_alloc : memref<!tpu.dma_semaphore, #tpu.memory_space<semaphore_mem>>
      %dma_start3A_495 = arith.constant 0 : i32
      %dma_start3A_496 = tpu.memref_slice %arg11[%mul3A_2, %dma_start3A_495] : memref<5248x128xf32, #tpu.memory_space<vmem_shared>> -> memref<328x128xf32, #tpu.memory_space<vmem_shared>>
      %dma_start3A_497 = arith.constant 0 : i32
      %dma_start3A_498 = tpu.memref_slice %arg4[%mul3A_0, %dma_start3A_497] : memref<5248x128xf32, #tpu.memory_space<hbm>> -> memref<328x128xf32, #tpu.memory_space<hbm>>
      tpu.enqueue_dma source(%dma_start3A_498 : memref<328x128xf32, #tpu.memory_space<hbm>>) target(%dma_start3A_496 : memref<328x128xf32, #tpu.memory_space<vmem_shared>>) target_semaphore(%run_scoped3A : memref<!tpu.dma_semaphore, #tpu.memory_space<semaphore_mem>>)
      %dma_wait3A_499 = arith.constant 0 : i32
      %dma_wait3A_500 = tpu.memref_slice %arg11[%mul3A_2, %dma_wait3A_499] : memref<5248x128xf32, #tpu.memory_space<vmem_shared>> -> memref<328x128xf32, #tpu.memory_space<vmem_shared>>
      %dma_wait3A_501 = arith.constant 0 : i32
      %dma_wait3A_502 = tpu.memref_slice %arg4[%mul3A_0, %dma_wait3A_501] : memref<5248x128xf32, #tpu.memory_space<hbm>> -> memref<328x128xf32, #tpu.memory_space<hbm>>
      tpu.wait_dma2 semaphore(%run_scoped3A : memref<!tpu.dma_semaphore, #tpu.memory_space<semaphore_mem>>) src(%dma_wait3A_502 : memref<328x128xf32, #tpu.memory_space<hbm>>) dst(%dma_wait3A_500 : memref<328x128xf32, #tpu.memory_space<vmem_shared>>)
      tpu.yield
    }) : () -> ()
    %barrier3A = arith.constant 0 : index
    tpu.barrier barrier_id(%barrier3A)
    %mul3A_3 = arith.constant 5120 : i32
    %mul3A_4 = arith.muli %arg0, %mul3A_3 : i32
    %scan3A = arith.constant 0 : i32
    %scan3A_5 = arith.constant 0 : i32
    %scan3A_6 = arith.constant 160 : i32
    %scan3A_7 = arith.addi %scan3A_5, %scan3A_6 : i32
    %scan3A_8 = arith.constant 1 : i32
    %scan3A_9 = scf.for %scan3A_495 = %scan3A_5 to %scan3A_7 step %scan3A_8 iter_args(%scan3A_496 = %scan3A) -> (i32)  : i32 {
      %get3A_497 = arith.index_cast %scan3A_495 : i32 to index
      %get3A_498 = arith.constant 0 : index
      %get3A_499 = tpu.vector_load %arg6[%get3A_497, %get3A_498] {strides = array<i32>} : memref<160x128xi32, #tpu.memory_space<vmem>>, vector<16xi32>,
      %and3A_500 = arith.constant 16383 : i32
      %and3A_501 = vector.broadcast %and3A_500 : i32 to vector<16xi32>
      %and3A_502 = arith.andi %get3A_499, %and3A_501 : vector<16xi32>
      %ge3A = vector.broadcast %mul3A_4 : i32 to vector<16xi32>
      %ge3A_503 = arith.cmpi sge, %and3A_502, %ge3A : vector<16xi32>
      %add3A_504 = arith.constant 5120 : i32
      %add3A_505 = arith.addi %mul3A_4, %add3A_504 : i32
      %lt3A = vector.broadcast %add3A_505 : i32 to vector<16xi32>
      %lt3A_506 = arith.cmpi slt, %and3A_502, %lt3A : vector<16xi32>
      %and3A_507 = arith.andi %ge3A_503, %lt3A_506 : vector<16xi1>
      %swap3A_508 = arith.index_cast %scan3A_496 : i32 to index
      %swap3A_509 = tpu.vector_load %arg7[%swap3A_508] masked %and3A_507 {strides = array<i32>} : memref<21544xi32, #tpu.memory_space<vmem>>, vector<16xi32>, vector<16xi1>
      tpu.vector_store %arg7[%swap3A_508], %get3A_499 masked %and3A_507 {strides = array<i32>} : memref<21544xi32, #tpu.memory_space<vmem>>, vector<16xi32>, vector<16xi1>
      %all_reduce_population_count3A = tpu.all_reduce %and3A_507 {dim = 0 : i64, kind = #tpu.reduction_kind<sum>} : vector<16xi1> -> vector<16xi32>
      %slice3A = vector.extract_strided_slice %all_reduce_population_count3A {offsets = [0], sizes = [1], strides = [1]} : vector<16xi32> to vector<1xi32>
      %squeeze3A = vector.extract %slice3A[0] : i32 from vector<1xi32>
      %add3A_510 = arith.addi %scan3A_496, %squeeze3A : i32
      %get3A_511 = arith.index_cast %scan3A_495 : i32 to index
      %get3A_512 = arith.constant 16 : index
      %get3A_513 = tpu.vector_load %arg6[%get3A_511, %get3A_512] {strides = array<i32>} : memref<160x128xi32, #tpu.memory_space<vmem>>, vector<16xi32>,
      %and3A_514 = arith.constant 16383 : i32
      %and3A_515 = vector.broadcast %and3A_514 : i32 to vector<16xi32>
      %and3A_516 = arith.andi %get3A_513, %and3A_515 : vector<16xi32>
      %ge3A_517 = vector.broadcast %mul3A_4 : i32 to vector<16xi32>
      %ge3A_518 = arith.cmpi sge, %and3A_516, %ge3A_517 : vector<16xi32>
      %add3A_519 = arith.constant 5120 : i32
      %add3A_520 = arith.addi %mul3A_4, %add3A_519 : i32
      %lt3A_521 = vector.broadcast %add3A_520 : i32 to vector<16xi32>
      %lt3A_522 = arith.cmpi slt, %and3A_516, %lt3A_521 : vector<16xi32>
      %and3A_523 = arith.andi %ge3A_518, %lt3A_522 : vector<16xi1>
      %swap3A_524 = arith.index_cast %add3A_510 : i32 to index
      %swap3A_525 = tpu.vector_load %arg7[%swap3A_524] masked %and3A_523 {strides = array<i32>} : memref<21544xi32, #tpu.memory_space<vmem>>, vector<16xi32>, vector<16xi1>
      tpu.vector_store %arg7[%swap3A_524], %get3A_513 masked %and3A_523 {strides = array<i32>} : memref<21544xi32, #tpu.memory_space<vmem>>, vector<16xi32>, vector<16xi1>
      %all_reduce_population_count3A_526 = tpu.all_reduce %and3A_523 {dim = 0 : i64, kind = #tpu.reduction_kind<sum>} : vector<16xi1> -> vector<16xi32>
      %slice3A_527 = vector.extract_strided_slice %all_reduce_population_count3A_526 {offsets = [0], sizes = [1], strides = [1]} : vector<16xi32> to vector<1xi32>
      %squeeze3A_528 = vector.extract %slice3A_527[0] : i32 from vector<1xi32>
      %add3A_529 = arith.addi %add3A_510, %squeeze3A_528 : i32
      %get3A_530 = arith.index_cast %scan3A_495 : i32 to index
      %get3A_531 = arith.constant 32 : index
      %get3A_532 = tpu.vector_load %arg6[%get3A_530, %get3A_531] {strides = array<i32>} : memref<160x128xi32, #tpu.memory_space<vmem>>, vector<16xi32>,
      %and3A_533 = arith.constant 16383 : i32
      %and3A_534 = vector.broadcast %and3A_533 : i32 to vector<16xi32>
      %and3A_535 = arith.andi %get3A_532, %and3A_534 : vector<16xi32>
      %ge3A_536 = vector.broadcast %mul3A_4 : i32 to vector<16xi32>
      %ge3A_537 = arith.cmpi sge, %and3A_535, %ge3A_536 : vector<16xi32>
      %add3A_538 = arith.constant 5120 : i32
      %add3A_539 = arith.addi %mul3A_4, %add3A_538 : i32
      %lt3A_540 = vector.broadcast %add3A_539 : i32 to vector<16xi32>
      %lt3A_541 = arith.cmpi slt, %and3A_535, %lt3A_540 : vector<16xi32>
      %and3A_542 = arith.andi %ge3A_537, %lt3A_541 : vector<16xi1>
      %swap3A_543 = arith.index_cast %add3A_529 : i32 to index
      %swap3A_544 = tpu.vector_load %arg7[%swap3A_543] masked %and3A_542 {strides = array<i32>} : memref<21544xi32, #tpu.memory_space<vmem>>, vector<16xi32>, vector<16xi1>
      tpu.vector_store %arg7[%swap3A_543], %get3A_532 masked %and3A_542 {strides = array<i32>} : memref<21544xi32, #tpu.memory_space<vmem>>, vector<16xi32>, vector<16xi1>
      %all_reduce_population_count3A_545 = tpu.all_reduce %and3A_542 {dim = 0 : i64, kind = #tpu.reduction_kind<sum>} : vector<16xi1> -> vector<16xi32>
      %slice3A_546 = vector.extract_strided_slice %all_reduce_population_count3A_545 {offsets = [0], sizes = [1], strides = [1]} : vector<16xi32> to vector<1xi32>
      %squeeze3A_547 = vector.extract %slice3A_546[0] : i32 from vector<1xi32>
      %add3A_548 = arith.addi %add3A_529, %squeeze3A_547 : i32
      %get3A_549 = arith.index_cast %scan3A_495 : i32 to index
      %get3A_550 = arith.constant 48 : index
      %get3A_551 = tpu.vector_load %arg6[%get3A_549, %get3A_550] {strides = array<i32>} : memref<160x128xi32, #tpu.memory_space<vmem>>, vector<16xi32>,
      %and3A_552 = arith.constant 16383 : i32
      %and3A_553 = vector.broadcast %and3A_552 : i32 to vector<16xi32>
      %and3A_554 = arith.andi %get3A_551, %and3A_553 : vector<16xi32>
      %ge3A_555 = vector.broadcast %mul3A_4 : i32 to vector<16xi32>
      %ge3A_556 = arith.cmpi sge, %and3A_554, %ge3A_555 : vector<16xi32>
      %add3A_557 = arith.constant 5120 : i32
      %add3A_558 = arith.addi %mul3A_4, %add3A_557 : i32
      %lt3A_559 = vector.broadcast %add3A_558 : i32 to vector<16xi32>
      %lt3A_560 = arith.cmpi slt, %and3A_554, %lt3A_559 : vector<16xi32>
      %and3A_561 = arith.andi %ge3A_556, %lt3A_560 : vector<16xi1>
      %swap3A_562 = arith.index_cast %add3A_548 : i32 to index
      %swap3A_563 = tpu.vector_load %arg7[%swap3A_562] masked %and3A_561 {strides = array<i32>} : memref<21544xi32, #tpu.memory_space<vmem>>, vector<16xi32>, vector<16xi1>
      tpu.vector_store %arg7[%swap3A_562], %get3A_551 masked %and3A_561 {strides = array<i32>} : memref<21544xi32, #tpu.memory_space<vmem>>, vector<16xi32>, vector<16xi1>
      %all_reduce_population_count3A_564 = tpu.all_reduce %and3A_561 {dim = 0 : i64, kind = #tpu.reduction_kind<sum>} : vector<16xi1> -> vector<16xi32>
      %slice3A_565 = vector.extract_strided_slice %all_reduce_population_count3A_564 {offsets = [0], sizes = [1], strides = [1]} : vector<16xi32> to vector<1xi32>
      %squeeze3A_566 = vector.extract %slice3A_565[0] : i32 from vector<1xi32>
      %add3A_567 = arith.addi %add3A_548, %squeeze3A_566 : i32
      %get3A_568 = arith.index_cast %scan3A_495 : i32 to index
      %get3A_569 = arith.constant 64 : index
      %get3A_570 = tpu.vector_load %arg6[%get3A_568, %get3A_569] {strides = array<i32>} : memref<160x128xi32, #tpu.memory_space<vmem>>, vector<16xi32>,
      %and3A_571 = arith.constant 16383 : i32
      %and3A_572 = vector.broadcast %and3A_571 : i32 to vector<16xi32>
      %and3A_573 = arith.andi %get3A_570, %and3A_572 : vector<16xi32>
      %ge3A_574 = vector.broadcast %mul3A_4 : i32 to vector<16xi32>
      %ge3A_575 = arith.cmpi sge, %and3A_573, %ge3A_574 : vector<16xi32>
      %add3A_576 = arith.constant 5120 : i32
      %add3A_577 = arith.addi %mul3A_4, %add3A_576 : i32
      %lt3A_578 = vector.broadcast %add3A_577 : i32 to vector<16xi32>
      %lt3A_579 = arith.cmpi slt, %and3A_573, %lt3A_578 : vector<16xi32>
      %and3A_580 = arith.andi %ge3A_575, %lt3A_579 : vector<16xi1>
      %swap3A_581 = arith.index_cast %add3A_567 : i32 to index
      %swap3A_582 = tpu.vector_load %arg7[%swap3A_581] masked %and3A_580 {strides = array<i32>} : memref<21544xi32, #tpu.memory_space<vmem>>, vector<16xi32>, vector<16xi1>
      tpu.vector_store %arg7[%swap3A_581], %get3A_570 masked %and3A_580 {strides = array<i32>} : memref<21544xi32, #tpu.memory_space<vmem>>, vector<16xi32>, vector<16xi1>
      %all_reduce_population_count3A_583 = tpu.all_reduce %and3A_580 {dim = 0 : i64, kind = #tpu.reduction_kind<sum>} : vector<16xi1> -> vector<16xi32>
      %slice3A_584 = vector.extract_strided_slice %all_reduce_population_count3A_583 {offsets = [0], sizes = [1], strides = [1]} : vector<16xi32> to vector<1xi32>
      %squeeze3A_585 = vector.extract %slice3A_584[0] : i32 from vector<1xi32>
      %add3A_586 = arith.addi %add3A_567, %squeeze3A_585 : i32
      %get3A_587 = arith.index_cast %scan3A_495 : i32 to index
      %get3A_588 = arith.constant 80 : index
      %get3A_589 = tpu.vector_load %arg6[%get3A_587, %get3A_588] {strides = array<i32>} : memref<160x128xi32, #tpu.memory_space<vmem>>, vector<16xi32>,
      %and3A_590 = arith.constant 16383 : i32
      %and3A_591 = vector.broadcast %and3A_590 : i32 to vector<16xi32>
      %and3A_592 = arith.andi %get3A_589, %and3A_591 : vector<16xi32>
      %ge3A_593 = vector.broadcast %mul3A_4 : i32 to vector<16xi32>
      %ge3A_594 = arith.cmpi sge, %and3A_592, %ge3A_593 : vector<16xi32>
      %add3A_595 = arith.constant 5120 : i32
      %add3A_596 = arith.addi %mul3A_4, %add3A_595 : i32
      %lt3A_597 = vector.broadcast %add3A_596 : i32 to vector<16xi32>
      %lt3A_598 = arith.cmpi slt, %and3A_592, %lt3A_597 : vector<16xi32>
      %and3A_599 = arith.andi %ge3A_594, %lt3A_598 : vector<16xi1>
      %swap3A_600 = arith.index_cast %add3A_586 : i32 to index
      %swap3A_601 = tpu.vector_load %arg7[%swap3A_600] masked %and3A_599 {strides = array<i32>} : memref<21544xi32, #tpu.memory_space<vmem>>, vector<16xi32>, vector<16xi1>
      tpu.vector_store %arg7[%swap3A_600], %get3A_589 masked %and3A_599 {strides = array<i32>} : memref<21544xi32, #tpu.memory_space<vmem>>, vector<16xi32>, vector<16xi1>
      %all_reduce_population_count3A_602 = tpu.all_reduce %and3A_599 {dim = 0 : i64, kind = #tpu.reduction_kind<sum>} : vector<16xi1> -> vector<16xi32>
      %slice3A_603 = vector.extract_strided_slice %all_reduce_population_count3A_602 {offsets = [0], sizes = [1], strides = [1]} : vector<16xi32> to vector<1xi32>
      %squeeze3A_604 = vector.extract %slice3A_603[0] : i32 from vector<1xi32>
      %add3A_605 = arith.addi %add3A_586, %squeeze3A_604 : i32
      %get3A_606 = arith.index_cast %scan3A_495 : i32 to index
      %get3A_607 = arith.constant 96 : index
      %get3A_608 = tpu.vector_load %arg6[%get3A_606, %get3A_607] {strides = array<i32>} : memref<160x128xi32, #tpu.memory_space<vmem>>, vector<16xi32>,
      %and3A_609 = arith.constant 16383 : i32
      %and3A_610 = vector.broadcast %and3A_609 : i32 to vector<16xi32>
      %and3A_611 = arith.andi %get3A_608, %and3A_610 : vector<16xi32>
      %ge3A_612 = vector.broadcast %mul3A_4 : i32 to vector<16xi32>
      %ge3A_613 = arith.cmpi sge, %and3A_611, %ge3A_612 : vector<16xi32>
      %add3A_614 = arith.constant 5120 : i32
      %add3A_615 = arith.addi %mul3A_4, %add3A_614 : i32
      %lt3A_616 = vector.broadcast %add3A_615 : i32 to vector<16xi32>
      %lt3A_617 = arith.cmpi slt, %and3A_611, %lt3A_616 : vector<16xi32>
      %and3A_618 = arith.andi %ge3A_613, %lt3A_617 : vector<16xi1>
      %swap3A_619 = arith.index_cast %add3A_605 : i32 to index
      %swap3A_620 = tpu.vector_load %arg7[%swap3A_619] masked %and3A_618 {strides = array<i32>} : memref<21544xi32, #tpu.memory_space<vmem>>, vector<16xi32>, vector<16xi1>
      tpu.vector_store %arg7[%swap3A_619], %get3A_608 masked %and3A_618 {strides = array<i32>} : memref<21544xi32, #tpu.memory_space<vmem>>, vector<16xi32>, vector<16xi1>
      %all_reduce_population_count3A_621 = tpu.all_reduce %and3A_618 {dim = 0 : i64, kind = #tpu.reduction_kind<sum>} : vector<16xi1> -> vector<16xi32>
      %slice3A_622 = vector.extract_strided_slice %all_reduce_population_count3A_621 {offsets = [0], sizes = [1], strides = [1]} : vector<16xi32> to vector<1xi32>
      %squeeze3A_623 = vector.extract %slice3A_622[0] : i32 from vector<1xi32>
      %add3A_624 = arith.addi %add3A_605, %squeeze3A_623 : i32
      %get3A_625 = arith.index_cast %scan3A_495 : i32 to index
      %get3A_626 = arith.constant 112 : index
      %get3A_627 = tpu.vector_load %arg6[%get3A_625, %get3A_626] {strides = array<i32>} : memref<160x128xi32, #tpu.memory_space<vmem>>, vector<16xi32>,
      %and3A_628 = arith.constant 16383 : i32
      %and3A_629 = vector.broadcast %and3A_628 : i32 to vector<16xi32>
      %and3A_630 = arith.andi %get3A_627, %and3A_629 : vector<16xi32>
      %ge3A_631 = vector.broadcast %mul3A_4 : i32 to vector<16xi32>
      %ge3A_632 = arith.cmpi sge, %and3A_630, %ge3A_631 : vector<16xi32>
      %add3A_633 = arith.constant 5120 : i32
      %add3A_634 = arith.addi %mul3A_4, %add3A_633 : i32
      %lt3A_635 = vector.broadcast %add3A_634 : i32 to vector<16xi32>
      %lt3A_636 = arith.cmpi slt, %and3A_630, %lt3A_635 : vector<16xi32>
      %and3A_637 = arith.andi %ge3A_632, %lt3A_636 : vector<16xi1>
      %swap3A_638 = arith.index_cast %add3A_624 : i32 to index
      %swap3A_639 = tpu.vector_load %arg7[%swap3A_638] masked %and3A_637 {strides = array<i32>} : memref<21544xi32, #tpu.memory_space<vmem>>, vector<16xi32>, vector<16xi1>
      tpu.vector_store %arg7[%swap3A_638], %get3A_627 masked %and3A_637 {strides = array<i32>} : memref<21544xi32, #tpu.memory_space<vmem>>, vector<16xi32>, vector<16xi1>
      %all_reduce_population_count3A_640 = tpu.all_reduce %and3A_637 {dim = 0 : i64, kind = #tpu.reduction_kind<sum>} : vector<16xi1> -> vector<16xi32>
      %slice3A_641 = vector.extract_strided_slice %all_reduce_population_count3A_640 {offsets = [0], sizes = [1], strides = [1]} : vector<16xi32> to vector<1xi32>
      %squeeze3A_642 = vector.extract %slice3A_641[0] : i32 from vector<1xi32>
      %add3A_643 = arith.addi %add3A_624, %squeeze3A_642 : i32
      scf.yield %add3A_643 : i32
    }
    %scan3A_10 = arith.constant 160 : i32
    %broadcast_in_dim3A = arith.constant 0 : i32
    %broadcast_in_dim3A_11 = vector.broadcast %broadcast_in_dim3A : i32 to vector<16xi32>
    %add3A = arith.constant 5120 : i32
    %add3A_12 = arith.addi %mul3A_4, %add3A : i32
    %add3A_13 = vector.broadcast %add3A_12 : i32 to vector<16xi32>
    %add3A_14 = arith.addi %broadcast_in_dim3A_11, %add3A_13 : vector<16xi32>
    %scan3A_15 = arith.constant 0 : i32
    %scan3A_16 = arith.constant 0 : i32
    %scan3A_17 = arith.constant 65 : i32
    %scan3A_18 = arith.addi %scan3A_16, %scan3A_17 : i32
    %scan3A_19 = arith.constant 1 : i32
    scf.for %scan3A_495 = %scan3A_16 to %scan3A_18 step %scan3A_19  : i32 {
      %mul3A_496 = arith.constant 16 : i32
      %mul3A_497 = arith.muli %scan3A_495, %mul3A_496 : i32
      %add3A_498 = arith.addi %scan3A_9, %mul3A_497 : i32
      %swap3A_499 = arith.index_cast %add3A_498 : i32 to index
      %swap3A_500 = tpu.vector_load %arg7[%swap3A_499] {strides = array<i32>} : memref<21544xi32, #tpu.memory_space<vmem>>, vector<16xi32>,
      tpu.vector_store %arg7[%swap3A_499], %add3A_14 {strides = array<i32>} : memref<21544xi32, #tpu.memory_space<vmem>>, vector<16xi32>,
    }
    %scan3A_20 = arith.constant 65 : i32
    %add3A_21 = arith.constant 127 : i32
    %add3A_22 = arith.addi %scan3A_9, %add3A_21 : i32
    %jit3A = arith.constant 128 : i32
    %div3A = arith.divsi %add3A_22, %jit3A : i32
    %sign3A = arith.constant 0 : i32
    %sign3A_23 = arith.cmpi sgt, %add3A_22, %sign3A : i32
    %sign3A_24 = arith.extui %sign3A_23 : i1 to i32
    %sign3A_25 = arith.constant 0 : i32
    %sign3A_26 = arith.cmpi slt, %add3A_22, %sign3A_25 : i32
    %sign3A_27 = arith.extui %sign3A_26 : i1 to i32
    %sign3A_28 = arith.subi %sign3A_24, %sign3A_27 : i32
    %sign3A_29 = arith.constant 0 : i32
    %sign3A_30 = arith.cmpi sgt, %jit3A, %sign3A_29 : i32
    %sign3A_31 = arith.extui %sign3A_30 : i1 to i32
    %sign3A_32 = arith.constant 0 : i32
    %sign3A_33 = arith.cmpi slt, %jit3A, %sign3A_32 : i32
    %sign3A_34 = arith.extui %sign3A_33 : i1 to i32
    %sign3A_35 = arith.subi %sign3A_31, %sign3A_34 : i32
    %ne3A = arith.cmpi ne, %sign3A_28, %sign3A_35 : i32
    %rem3A = arith.remsi %add3A_22, %jit3A : i32
    %ne3A_36 = arith.constant 0 : i32
    %ne3A_37 = arith.cmpi ne, %rem3A, %ne3A_36 : i32
    %and3A = arith.andi %ne3A, %ne3A_37 : i1
    %sub3A = arith.constant 1 : i32
    %sub3A_38 = arith.subi %div3A, %sub3A : i32
    %select_n3A = arith.select %and3A, %sub3A_38, %div3A : i32
    %add3A_39 = arith.constant 1 : i32
    %add3A_40 = arith.addi %select_n3A, %add3A_39 : i32
    %jit3A_41 = arith.constant 2 : i32
    %div3A_42 = arith.divsi %add3A_40, %jit3A_41 : i32
    %sign3A_43 = arith.constant 0 : i32
    %sign3A_44 = arith.cmpi sgt, %add3A_40, %sign3A_43 : i32
    %sign3A_45 = arith.extui %sign3A_44 : i1 to i32
    %sign3A_46 = arith.constant 0 : i32
    %sign3A_47 = arith.cmpi slt, %add3A_40, %sign3A_46 : i32
    %sign3A_48 = arith.extui %sign3A_47 : i1 to i32
    %sign3A_49 = arith.subi %sign3A_45, %sign3A_48 : i32
    %sign3A_50 = arith.constant 0 : i32
    %sign3A_51 = arith.cmpi sgt, %jit3A_41, %sign3A_50 : i32
    %sign3A_52 = arith.extui %sign3A_51 : i1 to i32
    %sign3A_53 = arith.constant 0 : i32
    %sign3A_54 = arith.cmpi slt, %jit3A_41, %sign3A_53 : i32
    %sign3A_55 = arith.extui %sign3A_54 : i1 to i32
    %sign3A_56 = arith.subi %sign3A_52, %sign3A_55 : i32
    %ne3A_57 = arith.cmpi ne, %sign3A_49, %sign3A_56 : i32
    %rem3A_58 = arith.remsi %add3A_40, %jit3A_41 : i32
    %ne3A_59 = arith.constant 0 : i32
    %ne3A_60 = arith.cmpi ne, %rem3A_58, %ne3A_59 : i32
    %and3A_61 = arith.andi %ne3A_57, %ne3A_60 : i1
    %sub3A_62 = arith.constant 1 : i32
    %sub3A_63 = arith.subi %div3A_42, %sub3A_62 : i32
    %select_n3A_64 = arith.select %and3A_61, %sub3A_63, %div3A_42 : i32
    %mul3A_65 = arith.constant 2 : i32
    %mul3A_66 = arith.muli %select_n3A_64, %mul3A_65 : i32
    %max3A = arith.constant 4 : i32
    %max3A_67 = arith.maxsi %mul3A_66, %max3A : i32
    %get3A = arith.constant 0 : index
    %get3A_68 = tpu.vector_load %arg7[%get3A] {strides = array<i32>} : memref<21544xi32, #tpu.memory_space<vmem>>, vector<16xi32>,
    %shift_right_logical3A = arith.constant 14 : i32
    %shift_right_logical3A_69 = vector.broadcast %shift_right_logical3A : i32 to vector<16xi32>
    %shift_right_logical3A_70 = arith.shrui %get3A_68, %shift_right_logical3A_69 : vector<16xi32>
    %swap3A = arith.constant 0 : i32
    %swap3A_71 = arith.index_cast %swap3A : i32 to index
    %swap3A_72 = arith.constant 0 : index
    %swap3A_73 = tpu.vector_load %arg8[%swap3A_71, %swap3A_72] {strides = array<i32>} : memref<2x128xi32, #tpu.memory_space<vmem>>, vector<16xi32>,
    tpu.vector_store %arg8[%swap3A_71, %swap3A_72], %shift_right_logical3A_70 {strides = array<i32>} : memref<2x128xi32, #tpu.memory_space<vmem>>, vector<16xi32>,
    %and3A_74 = arith.constant 16383 : i32
    %and3A_75 = vector.broadcast %and3A_74 : i32 to vector<16xi32>
    %and3A_76 = arith.andi %get3A_68, %and3A_75 : vector<16xi32>
    %sub3A_77 = vector.broadcast %mul3A_4 : i32 to vector<16xi32>
    %sub3A_78 = arith.subi %and3A_76, %sub3A_77 : vector<16xi32>
    %swap3A_79 = arith.constant 0 : i32
    %swap3A_80 = arith.index_cast %swap3A_79 : i32 to index
    %swap3A_81 = arith.constant 0 : index
    %swap3A_82 = tpu.vector_load %arg9[%swap3A_80, %swap3A_81] {strides = array<i32>} : memref<2x128xi32, #tpu.memory_space<vmem>>, vector<16xi32>,
    tpu.vector_store %arg9[%swap3A_80, %swap3A_81], %sub3A_78 {strides = array<i32>} : memref<2x128xi32, #tpu.memory_space<vmem>>, vector<16xi32>,
    %get3A_83 = arith.constant 16 : index
    %get3A_84 = tpu.vector_load %arg7[%get3A_83] {strides = array<i32>} : memref<21544xi32, #tpu.memory_space<vmem>>, vector<16xi32>,
    %shift_right_logical3A_85 = arith.constant 14 : i32
    %shift_right_logical3A_86 = vector.broadcast %shift_right_logical3A_85 : i32 to vector<16xi32>
    %shift_right_logical3A_87 = arith.shrui %get3A_84, %shift_right_logical3A_86 : vector<16xi32>
    %swap3A_88 = arith.constant 0 : i32
    %swap3A_89 = arith.index_cast %swap3A_88 : i32 to index
    %swap3A_90 = arith.constant 16 : index
    %swap3A_91 = tpu.vector_load %arg8[%swap3A_89, %swap3A_90] {strides = array<i32>} : memref<2x128xi32, #tpu.memory_space<vmem>>, vector<16xi32>,
    tpu.vector_store %arg8[%swap3A_89, %swap3A_90], %shift_right_logical3A_87 {strides = array<i32>} : memref<2x128xi32, #tpu.memory_space<vmem>>, vector<16xi32>,
    %and3A_92 = arith.constant 16383 : i32
    %and3A_93 = vector.broadcast %and3A_92 : i32 to vector<16xi32>
    %and3A_94 = arith.andi %get3A_84, %and3A_93 : vector<16xi32>
    %sub3A_95 = vector.broadcast %mul3A_4 : i32 to vector<16xi32>
    %sub3A_96 = arith.subi %and3A_94, %sub3A_95 : vector<16xi32>
    %swap3A_97 = arith.constant 0 : i32
    %swap3A_98 = arith.index_cast %swap3A_97 : i32 to index
    %swap3A_99 = arith.constant 16 : index
    %swap3A_100 = tpu.vector_load %arg9[%swap3A_98, %swap3A_99] {strides = array<i32>} : memref<2x128xi32, #tpu.memory_space<vmem>>, vector<16xi32>,
    tpu.vector_store %arg9[%swap3A_98, %swap3A_99], %sub3A_96 {strides = array<i32>} : memref<2x128xi32, #tpu.memory_space<vmem>>, vector<16xi32>,
    %get3A_101 = arith.constant 32 : index
    %get3A_102 = tpu.vector_load %arg7[%get3A_101] {strides = array<i32>} : memref<21544xi32, #tpu.memory_space<vmem>>, vector<16xi32>,
    %shift_right_logical3A_103 = arith.constant 14 : i32
    %shift_right_logical3A_104 = vector.broadcast %shift_right_logical3A_103 : i32 to vector<16xi32>
    %shift_right_logical3A_105 = arith.shrui %get3A_102, %shift_right_logical3A_104 : vector<16xi32>
    %swap3A_106 = arith.constant 0 : i32
    %swap3A_107 = arith.index_cast %swap3A_106 : i32 to index
    %swap3A_108 = arith.constant 32 : index
    %swap3A_109 = tpu.vector_load %arg8[%swap3A_107, %swap3A_108] {strides = array<i32>} : memref<2x128xi32, #tpu.memory_space<vmem>>, vector<16xi32>,
    tpu.vector_store %arg8[%swap3A_107, %swap3A_108], %shift_right_logical3A_105 {strides = array<i32>} : memref<2x128xi32, #tpu.memory_space<vmem>>, vector<16xi32>,
    %and3A_110 = arith.constant 16383 : i32
    %and3A_111 = vector.broadcast %and3A_110 : i32 to vector<16xi32>
    %and3A_112 = arith.andi %get3A_102, %and3A_111 : vector<16xi32>
    %sub3A_113 = vector.broadcast %mul3A_4 : i32 to vector<16xi32>
    %sub3A_114 = arith.subi %and3A_112, %sub3A_113 : vector<16xi32>
    %swap3A_115 = arith.constant 0 : i32
    %swap3A_116 = arith.index_cast %swap3A_115 : i32 to index
    %swap3A_117 = arith.constant 32 : index
    %swap3A_118 = tpu.vector_load %arg9[%swap3A_116, %swap3A_117] {strides = array<i32>} : memref<2x128xi32, #tpu.memory_space<vmem>>, vector<16xi32>,
    tpu.vector_store %arg9[%swap3A_116, %swap3A_117], %sub3A_114 {strides = array<i32>} : memref<2x128xi32, #tpu.memory_space<vmem>>, vector<16xi32>,
    %get3A_119 = arith.constant 48 : index
    %get3A_120 = tpu.vector_load %arg7[%get3A_119] {strides = array<i32>} : memref<21544xi32, #tpu.memory_space<vmem>>, vector<16xi32>,
    %shift_right_logical3A_121 = arith.constant 14 : i32
    %shift_right_logical3A_122 = vector.broadcast %shift_right_logical3A_121 : i32 to vector<16xi32>
    %shift_right_logical3A_123 = arith.shrui %get3A_120, %shift_right_logical3A_122 : vector<16xi32>
    %swap3A_124 = arith.constant 0 : i32
    %swap3A_125 = arith.index_cast %swap3A_124 : i32 to index
    %swap3A_126 = arith.constant 48 : index
    %swap3A_127 = tpu.vector_load %arg8[%swap3A_125, %swap3A_126] {strides = array<i32>} : memref<2x128xi32, #tpu.memory_space<vmem>>, vector<16xi32>,
    tpu.vector_store %arg8[%swap3A_125, %swap3A_126], %shift_right_logical3A_123 {strides = array<i32>} : memref<2x128xi32, #tpu.memory_space<vmem>>, vector<16xi32>,
    %and3A_128 = arith.constant 16383 : i32
    %and3A_129 = vector.broadcast %and3A_128 : i32 to vector<16xi32>
    %and3A_130 = arith.andi %get3A_120, %and3A_129 : vector<16xi32>
    %sub3A_131 = vector.broadcast %mul3A_4 : i32 to vector<16xi32>
    %sub3A_132 = arith.subi %and3A_130, %sub3A_131 : vector<16xi32>
    %swap3A_133 = arith.constant 0 : i32
    %swap3A_134 = arith.index_cast %swap3A_133 : i32 to index
    %swap3A_135 = arith.constant 48 : index
    %swap3A_136 = tpu.vector_load %arg9[%swap3A_134, %swap3A_135] {strides = array<i32>} : memref<2x128xi32, #tpu.memory_space<vmem>>, vector<16xi32>,
    tpu.vector_store %arg9[%swap3A_134, %swap3A_135], %sub3A_132 {strides = array<i32>} : memref<2x128xi32, #tpu.memory_space<vmem>>, vector<16xi32>,
    %get3A_137 = arith.constant 64 : index
    %get3A_138 = tpu.vector_load %arg7[%get3A_137] {strides = array<i32>} : memref<21544xi32, #tpu.memory_space<vmem>>, vector<16xi32>,
    %shift_right_logical3A_139 = arith.constant 14 : i32
    %shift_right_logical3A_140 = vector.broadcast %shift_right_logical3A_139 : i32 to vector<16xi32>
    %shift_right_logical3A_141 = arith.shrui %get3A_138, %shift_right_logical3A_140 : vector<16xi32>
    %swap3A_142 = arith.constant 0 : i32
    %swap3A_143 = arith.index_cast %swap3A_142 : i32 to index
    %swap3A_144 = arith.constant 64 : index
    %swap3A_145 = tpu.vector_load %arg8[%swap3A_143, %swap3A_144] {strides = array<i32>} : memref<2x128xi32, #tpu.memory_space<vmem>>, vector<16xi32>,
    tpu.vector_store %arg8[%swap3A_143, %swap3A_144], %shift_right_logical3A_141 {strides = array<i32>} : memref<2x128xi32, #tpu.memory_space<vmem>>, vector<16xi32>,
    %and3A_146 = arith.constant 16383 : i32
    %and3A_147 = vector.broadcast %and3A_146 : i32 to vector<16xi32>
    %and3A_148 = arith.andi %get3A_138, %and3A_147 : vector<16xi32>
    %sub3A_149 = vector.broadcast %mul3A_4 : i32 to vector<16xi32>
    %sub3A_150 = arith.subi %and3A_148, %sub3A_149 : vector<16xi32>
    %swap3A_151 = arith.constant 0 : i32
    %swap3A_152 = arith.index_cast %swap3A_151 : i32 to index
    %swap3A_153 = arith.constant 64 : index
    %swap3A_154 = tpu.vector_load %arg9[%swap3A_152, %swap3A_153] {strides = array<i32>} : memref<2x128xi32, #tpu.memory_space<vmem>>, vector<16xi32>,
    tpu.vector_store %arg9[%swap3A_152, %swap3A_153], %sub3A_150 {strides = array<i32>} : memref<2x128xi32, #tpu.memory_space<vmem>>, vector<16xi32>,
    %get3A_155 = arith.constant 80 : index
    %get3A_156 = tpu.vector_load %arg7[%get3A_155] {strides = array<i32>} : memref<21544xi32, #tpu.memory_space<vmem>>, vector<16xi32>,
    %shift_right_logical3A_157 = arith.constant 14 : i32
    %shift_right_logical3A_158 = vector.broadcast %shift_right_logical3A_157 : i32 to vector<16xi32>
    %shift_right_logical3A_159 = arith.shrui %get3A_156, %shift_right_logical3A_158 : vector<16xi32>
    %swap3A_160 = arith.constant 0 : i32
    %swap3A_161 = arith.index_cast %swap3A_160 : i32 to index
    %swap3A_162 = arith.constant 80 : index
    %swap3A_163 = tpu.vector_load %arg8[%swap3A_161, %swap3A_162] {strides = array<i32>} : memref<2x128xi32, #tpu.memory_space<vmem>>, vector<16xi32>,
    tpu.vector_store %arg8[%swap3A_161, %swap3A_162], %shift_right_logical3A_159 {strides = array<i32>} : memref<2x128xi32, #tpu.memory_space<vmem>>, vector<16xi32>,
    %and3A_164 = arith.constant 16383 : i32
    %and3A_165 = vector.broadcast %and3A_164 : i32 to vector<16xi32>
    %and3A_166 = arith.andi %get3A_156, %and3A_165 : vector<16xi32>
    %sub3A_167 = vector.broadcast %mul3A_4 : i32 to vector<16xi32>
    %sub3A_168 = arith.subi %and3A_166, %sub3A_167 : vector<16xi32>
    %swap3A_169 = arith.constant 0 : i32
    %swap3A_170 = arith.index_cast %swap3A_169 : i32 to index
    %swap3A_171 = arith.constant 80 : index
    %swap3A_172 = tpu.vector_load %arg9[%swap3A_170, %swap3A_171] {strides = array<i32>} : memref<2x128xi32, #tpu.memory_space<vmem>>, vector<16xi32>,
    tpu.vector_store %arg9[%swap3A_170, %swap3A_171], %sub3A_168 {strides = array<i32>} : memref<2x128xi32, #tpu.memory_space<vmem>>, vector<16xi32>,
    %get3A_173 = arith.constant 96 : index
    %get3A_174 = tpu.vector_load %arg7[%get3A_173] {strides = array<i32>} : memref<21544xi32, #tpu.memory_space<vmem>>, vector<16xi32>,
    %shift_right_logical3A_175 = arith.constant 14 : i32
    %shift_right_logical3A_176 = vector.broadcast %shift_right_logical3A_175 : i32 to vector<16xi32>
    %shift_right_logical3A_177 = arith.shrui %get3A_174, %shift_right_logical3A_176 : vector<16xi32>
    %swap3A_178 = arith.constant 0 : i32
    %swap3A_179 = arith.index_cast %swap3A_178 : i32 to index
    %swap3A_180 = arith.constant 96 : index
    %swap3A_181 = tpu.vector_load %arg8[%swap3A_179, %swap3A_180] {strides = array<i32>} : memref<2x128xi32, #tpu.memory_space<vmem>>, vector<16xi32>,
    tpu.vector_store %arg8[%swap3A_179, %swap3A_180], %shift_right_logical3A_177 {strides = array<i32>} : memref<2x128xi32, #tpu.memory_space<vmem>>, vector<16xi32>,
    %and3A_182 = arith.constant 16383 : i32
    %and3A_183 = vector.broadcast %and3A_182 : i32 to vector<16xi32>
    %and3A_184 = arith.andi %get3A_174, %and3A_183 : vector<16xi32>
    %sub3A_185 = vector.broadcast %mul3A_4 : i32 to vector<16xi32>
    %sub3A_186 = arith.subi %and3A_184, %sub3A_185 : vector<16xi32>
    %swap3A_187 = arith.constant 0 : i32
    %swap3A_188 = arith.index_cast %swap3A_187 : i32 to index
    %swap3A_189 = arith.constant 96 : index
    %swap3A_190 = tpu.vector_load %arg9[%swap3A_188, %swap3A_189] {strides = array<i32>} : memref<2x128xi32, #tpu.memory_space<vmem>>, vector<16xi32>,
    tpu.vector_store %arg9[%swap3A_188, %swap3A_189], %sub3A_186 {strides = array<i32>} : memref<2x128xi32, #tpu.memory_space<vmem>>, vector<16xi32>,
    %get3A_191 = arith.constant 112 : index
    %get3A_192 = tpu.vector_load %arg7[%get3A_191] {strides = array<i32>} : memref<21544xi32, #tpu.memory_space<vmem>>, vector<16xi32>,
    %shift_right_logical3A_193 = arith.constant 14 : i32
    %shift_right_logical3A_194 = vector.broadcast %shift_right_logical3A_193 : i32 to vector<16xi32>
    %shift_right_logical3A_195 = arith.shrui %get3A_192, %shift_right_logical3A_194 : vector<16xi32>
    %swap3A_196 = arith.constant 0 : i32
    %swap3A_197 = arith.index_cast %swap3A_196 : i32 to index
    %swap3A_198 = arith.constant 112 : index
    %swap3A_199 = tpu.vector_load %arg8[%swap3A_197, %swap3A_198] {strides = array<i32>} : memref<2x128xi32, #tpu.memory_space<vmem>>, vector<16xi32>,
    tpu.vector_store %arg8[%swap3A_197, %swap3A_198], %shift_right_logical3A_195 {strides = array<i32>} : memref<2x128xi32, #tpu.memory_space<vmem>>, vector<16xi32>,
    %and3A_200 = arith.constant 16383 : i32
    %and3A_201 = vector.broadcast %and3A_200 : i32 to vector<16xi32>
    %and3A_202 = arith.andi %get3A_192, %and3A_201 : vector<16xi32>
    %sub3A_203 = vector.broadcast %mul3A_4 : i32 to vector<16xi32>
    %sub3A_204 = arith.subi %and3A_202, %sub3A_203 : vector<16xi32>
    %swap3A_205 = arith.constant 0 : i32
    %swap3A_206 = arith.index_cast %swap3A_205 : i32 to index
    %swap3A_207 = arith.constant 112 : index
    %swap3A_208 = tpu.vector_load %arg9[%swap3A_206, %swap3A_207] {strides = array<i32>} : memref<2x128xi32, #tpu.memory_space<vmem>>, vector<16xi32>,
    tpu.vector_store %arg9[%swap3A_206, %swap3A_207], %sub3A_204 {strides = array<i32>} : memref<2x128xi32, #tpu.memory_space<vmem>>, vector<16xi32>,
    %dma_start3A = arith.constant 0 : i32
    %dma_start3A_209 = arith.constant 0 : i32
    %dma_start3A_210 = arith.constant 0 : i32
    %dma_start3A_211 = arith.constant 0 : i32
    %dma_start3A_212 = tpu.memref_slice %arg10[%dma_start3A_209, %dma_start3A_210, %dma_start3A_211] : memref<2x128x128xf32, #tpu.memory_space<vmem>> -> memref<1x128x128xf32, #tpu.memory_space<vmem>>
    %dma_start3A_213 = tpu.memref_squeeze %dma_start3A_212 : memref<1x128x128xf32, #tpu.memory_space<vmem>> -> memref<128x128xf32, #tpu.memory_space<vmem>>
    %dma_start3A_214 = arith.constant 0 : i32
    %dma_start3A_215 = tpu.memref_slice %arg8[%dma_start3A, %dma_start3A_214] : memref<2x128xi32, #tpu.memory_space<vmem>> -> memref<1x128xi32, #tpu.memory_space<vmem>>
    %dma_start3A_216 = tpu.memref_squeeze %dma_start3A_215 : memref<1x128xi32, #tpu.memory_space<vmem>> -> memref<128xi32, #tpu.memory_space<vmem>>
    %dma_start3A_217 = arith.constant 0 : i32
    %dma_start3A_218 = arith.constant 0 : i32
    %dma_start3A_219 = tpu.memref_slice %arg2[%dma_start3A_217, %dma_start3A_218] : memref<30000x128xf32, #tpu.memory_space<hbm>> -> memref<30000x128xf32, #tpu.memory_space<hbm>>
    tpu.enqueue_indirect_dma source(%dma_start3A_219 : memref<30000x128xf32, #tpu.memory_space<hbm>>) target(%dma_start3A_213 : memref<128x128xf32, #tpu.memory_space<vmem>>) offsets(%dma_start3A_216 : memref<128xi32, #tpu.memory_space<vmem>>) semaphore(%arg12 : memref<!tpu.dma_semaphore, #tpu.memory_space<semaphore_mem>>)
    %dma_wait3A = arith.constant 0 : i32
    %dma_wait3A_220 = arith.constant 0 : i32
    %dma_wait3A_221 = arith.constant 0 : i32
    %dma_wait3A_222 = arith.constant 0 : i32
    %dma_wait3A_223 = tpu.memref_slice %arg10[%dma_wait3A_220, %dma_wait3A_221, %dma_wait3A_222] : memref<2x128x128xf32, #tpu.memory_space<vmem>> -> memref<1x128x128xf32, #tpu.memory_space<vmem>>
    %dma_wait3A_224 = tpu.memref_squeeze %dma_wait3A_223 : memref<1x128x128xf32, #tpu.memory_space<vmem>> -> memref<128x128xf32, #tpu.memory_space<vmem>>
    %dma_wait3A_225 = arith.constant 0 : i32
    %dma_wait3A_226 = tpu.memref_slice %arg8[%dma_wait3A, %dma_wait3A_225] : memref<2x128xi32, #tpu.memory_space<vmem>> -> memref<1x128xi32, #tpu.memory_space<vmem>>
    %dma_wait3A_227 = tpu.memref_squeeze %dma_wait3A_226 : memref<1x128xi32, #tpu.memory_space<vmem>> -> memref<128xi32, #tpu.memory_space<vmem>>
    %dma_wait3A_228 = arith.constant 0 : i32
    %dma_wait3A_229 = arith.constant 0 : i32
    %dma_wait3A_230 = tpu.memref_slice %arg2[%dma_wait3A_228, %dma_wait3A_229] : memref<30000x128xf32, #tpu.memory_space<hbm>> -> memref<30000x128xf32, #tpu.memory_space<hbm>>
    tpu.wait_indirect_dma semaphore(%arg12 : memref<!tpu.dma_semaphore, #tpu.memory_space<semaphore_mem>>) src(%dma_wait3A_230 : memref<30000x128xf32, #tpu.memory_space<hbm>>) dst(%dma_wait3A_224 : memref<128x128xf32, #tpu.memory_space<vmem>>)
    %get3A_231 = arith.constant 128 : index
    %get3A_232 = tpu.vector_load %arg7[%get3A_231] {strides = array<i32>} : memref<21544xi32, #tpu.memory_space<vmem>>, vector<16xi32>,
    %shift_right_logical3A_233 = arith.constant 14 : i32
    %shift_right_logical3A_234 = vector.broadcast %shift_right_logical3A_233 : i32 to vector<16xi32>
    %shift_right_logical3A_235 = arith.shrui %get3A_232, %shift_right_logical3A_234 : vector<16xi32>
    %swap3A_236 = arith.constant 1 : i32
    %swap3A_237 = arith.index_cast %swap3A_236 : i32 to index
    %swap3A_238 = arith.constant 0 : index
    %swap3A_239 = tpu.vector_load %arg8[%swap3A_237, %swap3A_238] {strides = array<i32>} : memref<2x128xi32, #tpu.memory_space<vmem>>, vector<16xi32>,
    tpu.vector_store %arg8[%swap3A_237, %swap3A_238], %shift_right_logical3A_235 {strides = array<i32>} : memref<2x128xi32, #tpu.memory_space<vmem>>, vector<16xi32>,
    %and3A_240 = arith.constant 16383 : i32
    %and3A_241 = vector.broadcast %and3A_240 : i32 to vector<16xi32>
    %and3A_242 = arith.andi %get3A_232, %and3A_241 : vector<16xi32>
    %sub3A_243 = vector.broadcast %mul3A_4 : i32 to vector<16xi32>
    %sub3A_244 = arith.subi %and3A_242, %sub3A_243 : vector<16xi32>
    %swap3A_245 = arith.constant 1 : i32
    %swap3A_246 = arith.index_cast %swap3A_245 : i32 to index
    %swap3A_247 = arith.constant 0 : index
    %swap3A_248 = tpu.vector_load %arg9[%swap3A_246, %swap3A_247] {strides = array<i32>} : memref<2x128xi32, #tpu.memory_space<vmem>>, vector<16xi32>,
    tpu.vector_store %arg9[%swap3A_246, %swap3A_247], %sub3A_244 {strides = array<i32>} : memref<2x128xi32, #tpu.memory_space<vmem>>, vector<16xi32>,
    %get3A_249 = arith.constant 144 : index
    %get3A_250 = tpu.vector_load %arg7[%get3A_249] {strides = array<i32>} : memref<21544xi32, #tpu.memory_space<vmem>>, vector<16xi32>,
    %shift_right_logical3A_251 = arith.constant 14 : i32
    %shift_right_logical3A_252 = vector.broadcast %shift_right_logical3A_251 : i32 to vector<16xi32>
    %shift_right_logical3A_253 = arith.shrui %get3A_250, %shift_right_logical3A_252 : vector<16xi32>
    %swap3A_254 = arith.constant 1 : i32
    %swap3A_255 = arith.index_cast %swap3A_254 : i32 to index
    %swap3A_256 = arith.constant 16 : index
    %swap3A_257 = tpu.vector_load %arg8[%swap3A_255, %swap3A_256] {strides = array<i32>} : memref<2x128xi32, #tpu.memory_space<vmem>>, vector<16xi32>,
    tpu.vector_store %arg8[%swap3A_255, %swap3A_256], %shift_right_logical3A_253 {strides = array<i32>} : memref<2x128xi32, #tpu.memory_space<vmem>>, vector<16xi32>,
    %and3A_258 = arith.constant 16383 : i32
    %and3A_259 = vector.broadcast %and3A_258 : i32 to vector<16xi32>
    %and3A_260 = arith.andi %get3A_250, %and3A_259 : vector<16xi32>
    %sub3A_261 = vector.broadcast %mul3A_4 : i32 to vector<16xi32>
    %sub3A_262 = arith.subi %and3A_260, %sub3A_261 : vector<16xi32>
    %swap3A_263 = arith.constant 1 : i32
    %swap3A_264 = arith.index_cast %swap3A_263 : i32 to index
    %swap3A_265 = arith.constant 16 : index
    %swap3A_266 = tpu.vector_load %arg9[%swap3A_264, %swap3A_265] {strides = array<i32>} : memref<2x128xi32, #tpu.memory_space<vmem>>, vector<16xi32>,
    tpu.vector_store %arg9[%swap3A_264, %swap3A_265], %sub3A_262 {strides = array<i32>} : memref<2x128xi32, #tpu.memory_space<vmem>>, vector<16xi32>,
    %get3A_267 = arith.constant 160 : index
    %get3A_268 = tpu.vector_load %arg7[%get3A_267] {strides = array<i32>} : memref<21544xi32, #tpu.memory_space<vmem>>, vector<16xi32>,
    %shift_right_logical3A_269 = arith.constant 14 : i32
    %shift_right_logical3A_270 = vector.broadcast %shift_right_logical3A_269 : i32 to vector<16xi32>
    %shift_right_logical3A_271 = arith.shrui %get3A_268, %shift_right_logical3A_270 : vector<16xi32>
    %swap3A_272 = arith.constant 1 : i32
    %swap3A_273 = arith.index_cast %swap3A_272 : i32 to index
    %swap3A_274 = arith.constant 32 : index
    %swap3A_275 = tpu.vector_load %arg8[%swap3A_273, %swap3A_274] {strides = array<i32>} : memref<2x128xi32, #tpu.memory_space<vmem>>, vector<16xi32>,
    tpu.vector_store %arg8[%swap3A_273, %swap3A_274], %shift_right_logical3A_271 {strides = array<i32>} : memref<2x128xi32, #tpu.memory_space<vmem>>, vector<16xi32>,
    %and3A_276 = arith.constant 16383 : i32
    %and3A_277 = vector.broadcast %and3A_276 : i32 to vector<16xi32>
    %and3A_278 = arith.andi %get3A_268, %and3A_277 : vector<16xi32>
    %sub3A_279 = vector.broadcast %mul3A_4 : i32 to vector<16xi32>
    %sub3A_280 = arith.subi %and3A_278, %sub3A_279 : vector<16xi32>
    %swap3A_281 = arith.constant 1 : i32
    %swap3A_282 = arith.index_cast %swap3A_281 : i32 to index
    %swap3A_283 = arith.constant 32 : index
    %swap3A_284 = tpu.vector_load %arg9[%swap3A_282, %swap3A_283] {strides = array<i32>} : memref<2x128xi32, #tpu.memory_space<vmem>>, vector<16xi32>,
    tpu.vector_store %arg9[%swap3A_282, %swap3A_283], %sub3A_280 {strides = array<i32>} : memref<2x128xi32, #tpu.memory_space<vmem>>, vector<16xi32>,
    %get3A_285 = arith.constant 176 : index
    %get3A_286 = tpu.vector_load %arg7[%get3A_285] {strides = array<i32>} : memref<21544xi32, #tpu.memory_space<vmem>>, vector<16xi32>,
    %shift_right_logical3A_287 = arith.constant 14 : i32
    %shift_right_logical3A_288 = vector.broadcast %shift_right_logical3A_287 : i32 to vector<16xi32>
    %shift_right_logical3A_289 = arith.shrui %get3A_286, %shift_right_logical3A_288 : vector<16xi32>
    %swap3A_290 = arith.constant 1 : i32
    %swap3A_291 = arith.index_cast %swap3A_290 : i32 to index
    %swap3A_292 = arith.constant 48 : index
    %swap3A_293 = tpu.vector_load %arg8[%swap3A_291, %swap3A_292] {strides = array<i32>} : memref<2x128xi32, #tpu.memory_space<vmem>>, vector<16xi32>,
    tpu.vector_store %arg8[%swap3A_291, %swap3A_292], %shift_right_logical3A_289 {strides = array<i32>} : memref<2x128xi32, #tpu.memory_space<vmem>>, vector<16xi32>,
    %and3A_294 = arith.constant 16383 : i32
    %and3A_295 = vector.broadcast %and3A_294 : i32 to vector<16xi32>
    %and3A_296 = arith.andi %get3A_286, %and3A_295 : vector<16xi32>
    %sub3A_297 = vector.broadcast %mul3A_4 : i32 to vector<16xi32>
    %sub3A_298 = arith.subi %and3A_296, %sub3A_297 : vector<16xi32>
    %swap3A_299 = arith.constant 1 : i32
    %swap3A_300 = arith.index_cast %swap3A_299 : i32 to index
    %swap3A_301 = arith.constant 48 : index
    %swap3A_302 = tpu.vector_load %arg9[%swap3A_300, %swap3A_301] {strides = array<i32>} : memref<2x128xi32, #tpu.memory_space<vmem>>, vector<16xi32>,
    tpu.vector_store %arg9[%swap3A_300, %swap3A_301], %sub3A_298 {strides = array<i32>} : memref<2x128xi32, #tpu.memory_space<vmem>>, vector<16xi32>,
    %get3A_303 = arith.constant 192 : index
    %get3A_304 = tpu.vector_load %arg7[%get3A_303] {strides = array<i32>} : memref<21544xi32, #tpu.memory_space<vmem>>, vector<16xi32>,
    %shift_right_logical3A_305 = arith.constant 14 : i32
    %shift_right_logical3A_306 = vector.broadcast %shift_right_logical3A_305 : i32 to vector<16xi32>
    %shift_right_logical3A_307 = arith.shrui %get3A_304, %shift_right_logical3A_306 : vector<16xi32>
    %swap3A_308 = arith.constant 1 : i32
    %swap3A_309 = arith.index_cast %swap3A_308 : i32 to index
    %swap3A_310 = arith.constant 64 : index
    %swap3A_311 = tpu.vector_load %arg8[%swap3A_309, %swap3A_310] {strides = array<i32>} : memref<2x128xi32, #tpu.memory_space<vmem>>, vector<16xi32>,
    tpu.vector_store %arg8[%swap3A_309, %swap3A_310], %shift_right_logical3A_307 {strides = array<i32>} : memref<2x128xi32, #tpu.memory_space<vmem>>, vector<16xi32>,
    %and3A_312 = arith.constant 16383 : i32
    %and3A_313 = vector.broadcast %and3A_312 : i32 to vector<16xi32>
    %and3A_314 = arith.andi %get3A_304, %and3A_313 : vector<16xi32>
    %sub3A_315 = vector.broadcast %mul3A_4 : i32 to vector<16xi32>
    %sub3A_316 = arith.subi %and3A_314, %sub3A_315 : vector<16xi32>
    %swap3A_317 = arith.constant 1 : i32
    %swap3A_318 = arith.index_cast %swap3A_317 : i32 to index
    %swap3A_319 = arith.constant 64 : index
    %swap3A_320 = tpu.vector_load %arg9[%swap3A_318, %swap3A_319] {strides = array<i32>} : memref<2x128xi32, #tpu.memory_space<vmem>>, vector<16xi32>,
    tpu.vector_store %arg9[%swap3A_318, %swap3A_319], %sub3A_316 {strides = array<i32>} : memref<2x128xi32, #tpu.memory_space<vmem>>, vector<16xi32>,
    %get3A_321 = arith.constant 208 : index
    %get3A_322 = tpu.vector_load %arg7[%get3A_321] {strides = array<i32>} : memref<21544xi32, #tpu.memory_space<vmem>>, vector<16xi32>,
    %shift_right_logical3A_323 = arith.constant 14 : i32
    %shift_right_logical3A_324 = vector.broadcast %shift_right_logical3A_323 : i32 to vector<16xi32>
    %shift_right_logical3A_325 = arith.shrui %get3A_322, %shift_right_logical3A_324 : vector<16xi32>
    %swap3A_326 = arith.constant 1 : i32
    %swap3A_327 = arith.index_cast %swap3A_326 : i32 to index
    %swap3A_328 = arith.constant 80 : index
    %swap3A_329 = tpu.vector_load %arg8[%swap3A_327, %swap3A_328] {strides = array<i32>} : memref<2x128xi32, #tpu.memory_space<vmem>>, vector<16xi32>,
    tpu.vector_store %arg8[%swap3A_327, %swap3A_328], %shift_right_logical3A_325 {strides = array<i32>} : memref<2x128xi32, #tpu.memory_space<vmem>>, vector<16xi32>,
    %and3A_330 = arith.constant 16383 : i32
    %and3A_331 = vector.broadcast %and3A_330 : i32 to vector<16xi32>
    %and3A_332 = arith.andi %get3A_322, %and3A_331 : vector<16xi32>
    %sub3A_333 = vector.broadcast %mul3A_4 : i32 to vector<16xi32>
    %sub3A_334 = arith.subi %and3A_332, %sub3A_333 : vector<16xi32>
    %swap3A_335 = arith.constant 1 : i32
    %swap3A_336 = arith.index_cast %swap3A_335 : i32 to index
    %swap3A_337 = arith.constant 80 : index
    %swap3A_338 = tpu.vector_load %arg9[%swap3A_336, %swap3A_337] {strides = array<i32>} : memref<2x128xi32, #tpu.memory_space<vmem>>, vector<16xi32>,
    tpu.vector_store %arg9[%swap3A_336, %swap3A_337], %sub3A_334 {strides = array<i32>} : memref<2x128xi32, #tpu.memory_space<vmem>>, vector<16xi32>,
    %get3A_339 = arith.constant 224 : index
    %get3A_340 = tpu.vector_load %arg7[%get3A_339] {strides = array<i32>} : memref<21544xi32, #tpu.memory_space<vmem>>, vector<16xi32>,
    %shift_right_logical3A_341 = arith.constant 14 : i32
    %shift_right_logical3A_342 = vector.broadcast %shift_right_logical3A_341 : i32 to vector<16xi32>
    %shift_right_logical3A_343 = arith.shrui %get3A_340, %shift_right_logical3A_342 : vector<16xi32>
    %swap3A_344 = arith.constant 1 : i32
    %swap3A_345 = arith.index_cast %swap3A_344 : i32 to index
    %swap3A_346 = arith.constant 96 : index
    %swap3A_347 = tpu.vector_load %arg8[%swap3A_345, %swap3A_346] {strides = array<i32>} : memref<2x128xi32, #tpu.memory_space<vmem>>, vector<16xi32>,
    tpu.vector_store %arg8[%swap3A_345, %swap3A_346], %shift_right_logical3A_343 {strides = array<i32>} : memref<2x128xi32, #tpu.memory_space<vmem>>, vector<16xi32>,
    %and3A_348 = arith.constant 16383 : i32
    %and3A_349 = vector.broadcast %and3A_348 : i32 to vector<16xi32>
    %and3A_350 = arith.andi %get3A_340, %and3A_349 : vector<16xi32>
    %sub3A_351 = vector.broadcast %mul3A_4 : i32 to vector<16xi32>
    %sub3A_352 = arith.subi %and3A_350, %sub3A_351 : vector<16xi32>
    %swap3A_353 = arith.constant 1 : i32
    %swap3A_354 = arith.index_cast %swap3A_353 : i32 to index
    %swap3A_355 = arith.constant 96 : index
    %swap3A_356 = tpu.vector_load %arg9[%swap3A_354, %swap3A_355] {strides = array<i32>} : memref<2x128xi32, #tpu.memory_space<vmem>>, vector<16xi32>,
    tpu.vector_store %arg9[%swap3A_354, %swap3A_355], %sub3A_352 {strides = array<i32>} : memref<2x128xi32, #tpu.memory_space<vmem>>, vector<16xi32>,
    %get3A_357 = arith.constant 240 : index
    %get3A_358 = tpu.vector_load %arg7[%get3A_357] {strides = array<i32>} : memref<21544xi32, #tpu.memory_space<vmem>>, vector<16xi32>,
    %shift_right_logical3A_359 = arith.constant 14 : i32
    %shift_right_logical3A_360 = vector.broadcast %shift_right_logical3A_359 : i32 to vector<16xi32>
    %shift_right_logical3A_361 = arith.shrui %get3A_358, %shift_right_logical3A_360 : vector<16xi32>
    %swap3A_362 = arith.constant 1 : i32
    %swap3A_363 = arith.index_cast %swap3A_362 : i32 to index
    %swap3A_364 = arith.constant 112 : index
    %swap3A_365 = tpu.vector_load %arg8[%swap3A_363, %swap3A_364] {strides = array<i32>} : memref<2x128xi32, #tpu.memory_space<vmem>>, vector<16xi32>,
    tpu.vector_store %arg8[%swap3A_363, %swap3A_364], %shift_right_logical3A_361 {strides = array<i32>} : memref<2x128xi32, #tpu.memory_space<vmem>>, vector<16xi32>,
    %and3A_366 = arith.constant 16383 : i32
    %and3A_367 = vector.broadcast %and3A_366 : i32 to vector<16xi32>
    %and3A_368 = arith.andi %get3A_358, %and3A_367 : vector<16xi32>
    %sub3A_369 = vector.broadcast %mul3A_4 : i32 to vector<16xi32>
    %sub3A_370 = arith.subi %and3A_368, %sub3A_369 : vector<16xi32>
    %swap3A_371 = arith.constant 1 : i32
    %swap3A_372 = arith.index_cast %swap3A_371 : i32 to index
    %swap3A_373 = arith.constant 112 : index
    %swap3A_374 = tpu.vector_load %arg9[%swap3A_372, %swap3A_373] {strides = array<i32>} : memref<2x128xi32, #tpu.memory_space<vmem>>, vector<16xi32>,
    tpu.vector_store %arg9[%swap3A_372, %swap3A_373], %sub3A_370 {strides = array<i32>} : memref<2x128xi32, #tpu.memory_space<vmem>>, vector<16xi32>,
    %dma_start3A_375 = arith.constant 1 : i32
    %dma_start3A_376 = arith.constant 1 : i32
    %dma_start3A_377 = arith.constant 0 : i32
    %dma_start3A_378 = arith.constant 0 : i32
    %dma_start3A_379 = tpu.memref_slice %arg10[%dma_start3A_376, %dma_start3A_377, %dma_start3A_378] : memref<2x128x128xf32, #tpu.memory_space<vmem>> -> memref<1x128x128xf32, #tpu.memory_space<vmem>>
    %dma_start3A_380 = tpu.memref_squeeze %dma_start3A_379 : memref<1x128x128xf32, #tpu.memory_space<vmem>> -> memref<128x128xf32, #tpu.memory_space<vmem>>
    %dma_start3A_381 = arith.constant 0 : i32
    %dma_start3A_382 = tpu.memref_slice %arg8[%dma_start3A_375, %dma_start3A_381] : memref<2x128xi32, #tpu.memory_space<vmem>> -> memref<1x128xi32, #tpu.memory_space<vmem>>
    %dma_start3A_383 = tpu.memref_squeeze %dma_start3A_382 : memref<1x128xi32, #tpu.memory_space<vmem>> -> memref<128xi32, #tpu.memory_space<vmem>>
    %dma_start3A_384 = arith.constant 0 : i32
    %dma_start3A_385 = arith.constant 0 : i32
    %dma_start3A_386 = tpu.memref_slice %arg2[%dma_start3A_384, %dma_start3A_385] : memref<30000x128xf32, #tpu.memory_space<hbm>> -> memref<30000x128xf32, #tpu.memory_space<hbm>>
    tpu.enqueue_indirect_dma source(%dma_start3A_386 : memref<30000x128xf32, #tpu.memory_space<hbm>>) target(%dma_start3A_380 : memref<128x128xf32, #tpu.memory_space<vmem>>) offsets(%dma_start3A_383 : memref<128xi32, #tpu.memory_space<vmem>>) semaphore(%arg13 : memref<!tpu.dma_semaphore, #tpu.memory_space<semaphore_mem>>)
    %dma_start3A_387 = arith.constant 0 : i32
    %dma_start3A_388 = arith.constant 0 : i32
    %dma_start3A_389 = arith.constant 0 : i32
    %dma_start3A_390 = arith.constant 0 : i32
    %dma_start3A_391 = tpu.memref_slice %arg10[%dma_start3A_387, %dma_start3A_389, %dma_start3A_390] : memref<2x128x128xf32, #tpu.memory_space<vmem>> -> memref<1x128x128xf32, #tpu.memory_space<vmem>>
    %dma_start3A_392 = tpu.memref_squeeze %dma_start3A_391 : memref<1x128x128xf32, #tpu.memory_space<vmem>> -> memref<128x128xf32, #tpu.memory_space<vmem>>
    %dma_start3A_393 = arith.constant 0 : i32
    %dma_start3A_394 = tpu.memref_slice %arg9[%dma_start3A_388, %dma_start3A_393] : memref<2x128xi32, #tpu.memory_space<vmem>> -> memref<1x128xi32, #tpu.memory_space<vmem>>
    %dma_start3A_395 = tpu.memref_squeeze %dma_start3A_394 : memref<1x128xi32, #tpu.memory_space<vmem>> -> memref<128xi32, #tpu.memory_space<vmem>>
    %dma_start3A_396 = arith.constant 0 : i32
    %dma_start3A_397 = arith.constant 0 : i32
    %dma_start3A_398 = tpu.memref_slice %arg11[%dma_start3A_396, %dma_start3A_397] : memref<5248x128xf32, #tpu.memory_space<vmem_shared>> -> memref<5248x128xf32, #tpu.memory_space<vmem_shared>>
    tpu.enqueue_indirect_dma source(%dma_start3A_392 : memref<128x128xf32, #tpu.memory_space<vmem>>) target(%dma_start3A_398 : memref<5248x128xf32, #tpu.memory_space<vmem_shared>>) offsets(%dma_start3A_395 : memref<128xi32, #tpu.memory_space<vmem>>) semaphore(%arg14 : memref<!tpu.dma_semaphore, #tpu.memory_space<semaphore_mem>>) {add = true}
    %sub3A_399 = arith.constant 2 : i32
    %sub3A_400 = arith.subi %max3A_67, %sub3A_399 : i32
    %jit3A_401 = arith.constant 2 : i32
    %div3A_402 = arith.divsi %sub3A_400, %jit3A_401 : i32
    %sign3A_403 = arith.constant 0 : i32
    %sign3A_404 = arith.cmpi sgt, %sub3A_400, %sign3A_403 : i32
    %sign3A_405 = arith.extui %sign3A_404 : i1 to i32
    %sign3A_406 = arith.constant 0 : i32
    %sign3A_407 = arith.cmpi slt, %sub3A_400, %sign3A_406 : i32
    %sign3A_408 = arith.extui %sign3A_407 : i1 to i32
    %sign3A_409 = arith.subi %sign3A_405, %sign3A_408 : i32
    %sign3A_410 = arith.constant 0 : i32
    %sign3A_411 = arith.cmpi sgt, %jit3A_401, %sign3A_410 : i32
    %sign3A_412 = arith.extui %sign3A_411 : i1 to i32
    %sign3A_413 = arith.constant 0 : i32
    %sign3A_414 = arith.cmpi slt, %jit3A_401, %sign3A_413 : i32
    %sign3A_415 = arith.extui %sign3A_414 : i1 to i32
    %sign3A_416 = arith.subi %sign3A_412, %sign3A_415 : i32
    %ne3A_417 = arith.cmpi ne, %sign3A_409, %sign3A_416 : i32
    %rem3A_418 = arith.remsi %sub3A_400, %jit3A_401 : i32
    %ne3A_419 = arith.constant 0 : i32
    %ne3A_420 = arith.cmpi ne, %rem3A_418, %ne3A_419 : i32
    %and3A_421 = arith.andi %ne3A_417, %ne3A_420 : i1
    %sub3A_422 = arith.constant 1 : i32
    %sub3A_423 = arith.subi %div3A_402, %sub3A_422 : i32
    %select_n3A_424 = arith.select %and3A_421, %sub3A_423, %div3A_402 : i32
    %while3A = arith.constant 0 : i32
    %while3A_425 = arith.constant 0 : i32
    %while3A_426 = arith.subi %select_n3A_424, %while3A_425 : i32
    %while3A_427 = arith.addi %while3A_425, %while3A_426 : i32
    %while3A_428 = arith.constant 1 : i32
    %while3A_429 = arith.divsi %while3A_426, %while3A_428 : i32
    %while3A_430 = arith.muli %while3A_429, %while3A_428 : i32
    %while3A_431 = arith.addi %while3A_425, %while3A_430 : i32
    %while3A_432 = arith.constant 1 : i32
    scf.for %while3A_495 = %while3A_425 to %while3A_431 step %while3A_432  : i32 {
      %mul3A_496 = arith.constant 2 : i32
      %mul3A_497 = arith.muli %mul3A_496, %while3A_495 : i32
      %add3A_498 = arith.constant 1 : i32
      %add3A_499 = arith.addi %mul3A_497, %add3A_498 : i32
      %dma_wait3A_500 = arith.constant 1 : i32
      %dma_wait3A_501 = arith.constant 1 : i32
      %dma_wait3A_502 = arith.constant 0 : i32
      %dma_wait3A_503 = arith.constant 0 : i32
      %dma_wait3A_504 = tpu.memref_slice %arg10[%dma_wait3A_501, %dma_wait3A_502, %dma_wait3A_503] : memref<2x128x128xf32, #tpu.memory_space<vmem>> -> memref<1x128x128xf32, #tpu.memory_space<vmem>>
      %dma_wait3A_505 = tpu.memref_squeeze %dma_wait3A_504 : memref<1x128x128xf32, #tpu.memory_space<vmem>> -> memref<128x128xf32, #tpu.memory_space<vmem>>
      %dma_wait3A_506 = arith.constant 0 : i32
      %dma_wait3A_507 = tpu.memref_slice %arg8[%dma_wait3A_500, %dma_wait3A_506] : memref<2x128xi32, #tpu.memory_space<vmem>> -> memref<1x128xi32, #tpu.memory_space<vmem>>
      %dma_wait3A_508 = tpu.memref_squeeze %dma_wait3A_507 : memref<1x128xi32, #tpu.memory_space<vmem>> -> memref<128xi32, #tpu.memory_space<vmem>>
      %dma_wait3A_509 = arith.constant 0 : i32
      %dma_wait3A_510 = arith.constant 0 : i32
      %dma_wait3A_511 = tpu.memref_slice %arg2[%dma_wait3A_509, %dma_wait3A_510] : memref<30000x128xf32, #tpu.memory_space<hbm>> -> memref<30000x128xf32, #tpu.memory_space<hbm>>
      tpu.wait_indirect_dma semaphore(%arg13 : memref<!tpu.dma_semaphore, #tpu.memory_space<semaphore_mem>>) src(%dma_wait3A_511 : memref<30000x128xf32, #tpu.memory_space<hbm>>) dst(%dma_wait3A_505 : memref<128x128xf32, #tpu.memory_space<vmem>>)
      %sub3A_512 = arith.constant 1 : i32
      %sub3A_513 = arith.subi %add3A_499, %sub3A_512 : i32
      %dma_wait3A_514 = arith.constant 0 : i32
      %dma_wait3A_515 = arith.constant 0 : i32
      %dma_wait3A_516 = arith.constant 0 : i32
      %dma_wait3A_517 = arith.constant 0 : i32
      %dma_wait3A_518 = tpu.memref_slice %arg10[%dma_wait3A_514, %dma_wait3A_516, %dma_wait3A_517] : memref<2x128x128xf32, #tpu.memory_space<vmem>> -> memref<1x128x128xf32, #tpu.memory_space<vmem>>
      %dma_wait3A_519 = tpu.memref_squeeze %dma_wait3A_518 : memref<1x128x128xf32, #tpu.memory_space<vmem>> -> memref<128x128xf32, #tpu.memory_space<vmem>>
      %dma_wait3A_520 = arith.constant 0 : i32
      %dma_wait3A_521 = tpu.memref_slice %arg9[%dma_wait3A_515, %dma_wait3A_520] : memref<2x128xi32, #tpu.memory_space<vmem>> -> memref<1x128xi32, #tpu.memory_space<vmem>>
      %dma_wait3A_522 = tpu.memref_squeeze %dma_wait3A_521 : memref<1x128xi32, #tpu.memory_space<vmem>> -> memref<128xi32, #tpu.memory_space<vmem>>
      %dma_wait3A_523 = arith.constant 0 : i32
      %dma_wait3A_524 = arith.constant 0 : i32
      %dma_wait3A_525 = tpu.memref_slice %arg11[%dma_wait3A_523, %dma_wait3A_524] : memref<5248x128xf32, #tpu.memory_space<vmem_shared>> -> memref<5248x128xf32, #tpu.memory_space<vmem_shared>>
      tpu.wait_indirect_dma semaphore(%arg14 : memref<!tpu.dma_semaphore, #tpu.memory_space<semaphore_mem>>) src(%dma_wait3A_519 : memref<128x128xf32, #tpu.memory_space<vmem>>) dst(%dma_wait3A_525 : memref<5248x128xf32, #tpu.memory_space<vmem_shared>>)
      %add3A_526 = arith.constant 1 : i32
      %add3A_527 = arith.addi %add3A_499, %add3A_526 : i32
      %mul3A_528 = arith.constant 128 : i32
      %mul3A_529 = arith.muli %add3A_527, %mul3A_528 : i32
      %add3A_530 = arith.constant 0 : i32
      %add3A_531 = arith.addi %mul3A_529, %add3A_530 : i32
      %get3A_532 = arith.index_cast %add3A_531 : i32 to index
      %get3A_533 = tpu.vector_load %arg7[%get3A_532] {strides = array<i32>} : memref<21544xi32, #tpu.memory_space<vmem>>, vector<16xi32>,
      %shift_right_logical3A_534 = arith.constant 14 : i32
      %shift_right_logical3A_535 = vector.broadcast %shift_right_logical3A_534 : i32 to vector<16xi32>
      %shift_right_logical3A_536 = arith.shrui %get3A_533, %shift_right_logical3A_535 : vector<16xi32>
      %swap3A_537 = arith.constant 0 : i32
      %swap3A_538 = arith.index_cast %swap3A_537 : i32 to index
      %swap3A_539 = arith.constant 0 : index
      %swap3A_540 = tpu.vector_load %arg8[%swap3A_538, %swap3A_539] {strides = array<i32>} : memref<2x128xi32, #tpu.memory_space<vmem>>, vector<16xi32>,
      tpu.vector_store %arg8[%swap3A_538, %swap3A_539], %shift_right_logical3A_536 {strides = array<i32>} : memref<2x128xi32, #tpu.memory_space<vmem>>, vector<16xi32>,
      %and3A_541 = arith.constant 16383 : i32
      %and3A_542 = vector.broadcast %and3A_541 : i32 to vector<16xi32>
      %and3A_543 = arith.andi %get3A_533, %and3A_542 : vector<16xi32>
      %sub3A_544 = vector.broadcast %mul3A_4 : i32 to vector<16xi32>
      %sub3A_545 = arith.subi %and3A_543, %sub3A_544 : vector<16xi32>
      %swap3A_546 = arith.constant 0 : i32
      %swap3A_547 = arith.index_cast %swap3A_546 : i32 to index
      %swap3A_548 = arith.constant 0 : index
      %swap3A_549 = tpu.vector_load %arg9[%swap3A_547, %swap3A_548] {strides = array<i32>} : memref<2x128xi32, #tpu.memory_space<vmem>>, vector<16xi32>,
      tpu.vector_store %arg9[%swap3A_547, %swap3A_548], %sub3A_545 {strides = array<i32>} : memref<2x128xi32, #tpu.memory_space<vmem>>, vector<16xi32>,
      %mul3A_550 = arith.constant 128 : i32
      %mul3A_551 = arith.muli %add3A_527, %mul3A_550 : i32
      %add3A_552 = arith.constant 16 : i32
      %add3A_553 = arith.addi %mul3A_551, %add3A_552 : i32
      %get3A_554 = arith.index_cast %add3A_553 : i32 to index
      %get3A_555 = tpu.vector_load %arg7[%get3A_554] {strides = array<i32>} : memref<21544xi32, #tpu.memory_space<vmem>>, vector<16xi32>,
      %shift_right_logical3A_556 = arith.constant 14 : i32
      %shift_right_logical3A_557 = vector.broadcast %shift_right_logical3A_556 : i32 to vector<16xi32>
      %shift_right_logical3A_558 = arith.shrui %get3A_555, %shift_right_logical3A_557 : vector<16xi32>
      %swap3A_559 = arith.constant 0 : i32
      %swap3A_560 = arith.index_cast %swap3A_559 : i32 to index
      %swap3A_561 = arith.constant 16 : index
      %swap3A_562 = tpu.vector_load %arg8[%swap3A_560, %swap3A_561] {strides = array<i32>} : memref<2x128xi32, #tpu.memory_space<vmem>>, vector<16xi32>,
      tpu.vector_store %arg8[%swap3A_560, %swap3A_561], %shift_right_logical3A_558 {strides = array<i32>} : memref<2x128xi32, #tpu.memory_space<vmem>>, vector<16xi32>,
      %and3A_563 = arith.constant 16383 : i32
      %and3A_564 = vector.broadcast %and3A_563 : i32 to vector<16xi32>
      %and3A_565 = arith.andi %get3A_555, %and3A_564 : vector<16xi32>
      %sub3A_566 = vector.broadcast %mul3A_4 : i32 to vector<16xi32>
      %sub3A_567 = arith.subi %and3A_565, %sub3A_566 : vector<16xi32>
      %swap3A_568 = arith.constant 0 : i32
      %swap3A_569 = arith.index_cast %swap3A_568 : i32 to index
      %swap3A_570 = arith.constant 16 : index
      %swap3A_571 = tpu.vector_load %arg9[%swap3A_569, %swap3A_570] {strides = array<i32>} : memref<2x128xi32, #tpu.memory_space<vmem>>, vector<16xi32>,
      tpu.vector_store %arg9[%swap3A_569, %swap3A_570], %sub3A_567 {strides = array<i32>} : memref<2x128xi32, #tpu.memory_space<vmem>>, vector<16xi32>,
      %mul3A_572 = arith.constant 128 : i32
      %mul3A_573 = arith.muli %add3A_527, %mul3A_572 : i32
      %add3A_574 = arith.constant 32 : i32
      %add3A_575 = arith.addi %mul3A_573, %add3A_574 : i32
      %get3A_576 = arith.index_cast %add3A_575 : i32 to index
      %get3A_577 = tpu.vector_load %arg7[%get3A_576] {strides = array<i32>} : memref<21544xi32, #tpu.memory_space<vmem>>, vector<16xi32>,
      %shift_right_logical3A_578 = arith.constant 14 : i32
      %shift_right_logical3A_579 = vector.broadcast %shift_right_logical3A_578 : i32 to vector<16xi32>
      %shift_right_logical3A_580 = arith.shrui %get3A_577, %shift_right_logical3A_579 : vector<16xi32>
      %swap3A_581 = arith.constant 0 : i32
      %swap3A_582 = arith.index_cast %swap3A_581 : i32 to index
      %swap3A_583 = arith.constant 32 : index
      %swap3A_584 = tpu.vector_load %arg8[%swap3A_582, %swap3A_583] {strides = array<i32>} : memref<2x128xi32, #tpu.memory_space<vmem>>, vector<16xi32>,
      tpu.vector_store %arg8[%swap3A_582, %swap3A_583], %shift_right_logical3A_580 {strides = array<i32>} : memref<2x128xi32, #tpu.memory_space<vmem>>, vector<16xi32>,
      %and3A_585 = arith.constant 16383 : i32
      %and3A_586 = vector.broadcast %and3A_585 : i32 to vector<16xi32>
      %and3A_587 = arith.andi %get3A_577, %and3A_586 : vector<16xi32>
      %sub3A_588 = vector.broadcast %mul3A_4 : i32 to vector<16xi32>
      %sub3A_589 = arith.subi %and3A_587, %sub3A_588 : vector<16xi32>
      %swap3A_590 = arith.constant 0 : i32
      %swap3A_591 = arith.index_cast %swap3A_590 : i32 to index
      %swap3A_592 = arith.constant 32 : index
      %swap3A_593 = tpu.vector_load %arg9[%swap3A_591, %swap3A_592] {strides = array<i32>} : memref<2x128xi32, #tpu.memory_space<vmem>>, vector<16xi32>,
      tpu.vector_store %arg9[%swap3A_591, %swap3A_592], %sub3A_589 {strides = array<i32>} : memref<2x128xi32, #tpu.memory_space<vmem>>, vector<16xi32>,
      %mul3A_594 = arith.constant 128 : i32
      %mul3A_595 = arith.muli %add3A_527, %mul3A_594 : i32
      %add3A_596 = arith.constant 48 : i32
      %add3A_597 = arith.addi %mul3A_595, %add3A_596 : i32
      %get3A_598 = arith.index_cast %add3A_597 : i32 to index
      %get3A_599 = tpu.vector_load %arg7[%get3A_598] {strides = array<i32>} : memref<21544xi32, #tpu.memory_space<vmem>>, vector<16xi32>,
      %shift_right_logical3A_600 = arith.constant 14 : i32
      %shift_right_logical3A_601 = vector.broadcast %shift_right_logical3A_600 : i32 to vector<16xi32>
      %shift_right_logical3A_602 = arith.shrui %get3A_599, %shift_right_logical3A_601 : vector<16xi32>
      %swap3A_603 = arith.constant 0 : i32
      %swap3A_604 = arith.index_cast %swap3A_603 : i32 to index
      %swap3A_605 = arith.constant 48 : index
      %swap3A_606 = tpu.vector_load %arg8[%swap3A_604, %swap3A_605] {strides = array<i32>} : memref<2x128xi32, #tpu.memory_space<vmem>>, vector<16xi32>,
      tpu.vector_store %arg8[%swap3A_604, %swap3A_605], %shift_right_logical3A_602 {strides = array<i32>} : memref<2x128xi32, #tpu.memory_space<vmem>>, vector<16xi32>,
      %and3A_607 = arith.constant 16383 : i32
      %and3A_608 = vector.broadcast %and3A_607 : i32 to vector<16xi32>
      %and3A_609 = arith.andi %get3A_599, %and3A_608 : vector<16xi32>
      %sub3A_610 = vector.broadcast %mul3A_4 : i32 to vector<16xi32>
      %sub3A_611 = arith.subi %and3A_609, %sub3A_610 : vector<16xi32>
      %swap3A_612 = arith.constant 0 : i32
      %swap3A_613 = arith.index_cast %swap3A_612 : i32 to index
      %swap3A_614 = arith.constant 48 : index
      %swap3A_615 = tpu.vector_load %arg9[%swap3A_613, %swap3A_614] {strides = array<i32>} : memref<2x128xi32, #tpu.memory_space<vmem>>, vector<16xi32>,
      tpu.vector_store %arg9[%swap3A_613, %swap3A_614], %sub3A_611 {strides = array<i32>} : memref<2x128xi32, #tpu.memory_space<vmem>>, vector<16xi32>,
      %mul3A_616 = arith.constant 128 : i32
      %mul3A_617 = arith.muli %add3A_527, %mul3A_616 : i32
      %add3A_618 = arith.constant 64 : i32
      %add3A_619 = arith.addi %mul3A_617, %add3A_618 : i32
      %get3A_620 = arith.index_cast %add3A_619 : i32 to index
      %get3A_621 = tpu.vector_load %arg7[%get3A_620] {strides = array<i32>} : memref<21544xi32, #tpu.memory_space<vmem>>, vector<16xi32>,
      %shift_right_logical3A_622 = arith.constant 14 : i32
      %shift_right_logical3A_623 = vector.broadcast %shift_right_logical3A_622 : i32 to vector<16xi32>
      %shift_right_logical3A_624 = arith.shrui %get3A_621, %shift_right_logical3A_623 : vector<16xi32>
      %swap3A_625 = arith.constant 0 : i32
      %swap3A_626 = arith.index_cast %swap3A_625 : i32 to index
      %swap3A_627 = arith.constant 64 : index
      %swap3A_628 = tpu.vector_load %arg8[%swap3A_626, %swap3A_627] {strides = array<i32>} : memref<2x128xi32, #tpu.memory_space<vmem>>, vector<16xi32>,
      tpu.vector_store %arg8[%swap3A_626, %swap3A_627], %shift_right_logical3A_624 {strides = array<i32>} : memref<2x128xi32, #tpu.memory_space<vmem>>, vector<16xi32>,
      %and3A_629 = arith.constant 16383 : i32
      %and3A_630 = vector.broadcast %and3A_629 : i32 to vector<16xi32>
      %and3A_631 = arith.andi %get3A_621, %and3A_630 : vector<16xi32>
      %sub3A_632 = vector.broadcast %mul3A_4 : i32 to vector<16xi32>
      %sub3A_633 = arith.subi %and3A_631, %sub3A_632 : vector<16xi32>
      %swap3A_634 = arith.constant 0 : i32
      %swap3A_635 = arith.index_cast %swap3A_634 : i32 to index
      %swap3A_636 = arith.constant 64 : index
      %swap3A_637 = tpu.vector_load %arg9[%swap3A_635, %swap3A_636] {strides = array<i32>} : memref<2x128xi32, #tpu.memory_space<vmem>>, vector<16xi32>,
      tpu.vector_store %arg9[%swap3A_635, %swap3A_636], %sub3A_633 {strides = array<i32>} : memref<2x128xi32, #tpu.memory_space<vmem>>, vector<16xi32>,
      %mul3A_638 = arith.constant 128 : i32
      %mul3A_639 = arith.muli %add3A_527, %mul3A_638 : i32
      %add3A_640 = arith.constant 80 : i32
      %add3A_641 = arith.addi %mul3A_639, %add3A_640 : i32
      %get3A_642 = arith.index_cast %add3A_641 : i32 to index
      %get3A_643 = tpu.vector_load %arg7[%get3A_642] {strides = array<i32>} : memref<21544xi32, #tpu.memory_space<vmem>>, vector<16xi32>,
      %shift_right_logical3A_644 = arith.constant 14 : i32
      %shift_right_logical3A_645 = vector.broadcast %shift_right_logical3A_644 : i32 to vector<16xi32>
      %shift_right_logical3A_646 = arith.shrui %get3A_643, %shift_right_logical3A_645 : vector<16xi32>
      %swap3A_647 = arith.constant 0 : i32
      %swap3A_648 = arith.index_cast %swap3A_647 : i32 to index
      %swap3A_649 = arith.constant 80 : index
      %swap3A_650 = tpu.vector_load %arg8[%swap3A_648, %swap3A_649] {strides = array<i32>} : memref<2x128xi32, #tpu.memory_space<vmem>>, vector<16xi32>,
      tpu.vector_store %arg8[%swap3A_648, %swap3A_649], %shift_right_logical3A_646 {strides = array<i32>} : memref<2x128xi32, #tpu.memory_space<vmem>>, vector<16xi32>,
      %and3A_651 = arith.constant 16383 : i32
      %and3A_652 = vector.broadcast %and3A_651 : i32 to vector<16xi32>
      %and3A_653 = arith.andi %get3A_643, %and3A_652 : vector<16xi32>
      %sub3A_654 = vector.broadcast %mul3A_4 : i32 to vector<16xi32>
      %sub3A_655 = arith.subi %and3A_653, %sub3A_654 : vector<16xi32>
      %swap3A_656 = arith.constant 0 : i32
      %swap3A_657 = arith.index_cast %swap3A_656 : i32 to index
      %swap3A_658 = arith.constant 80 : index
      %swap3A_659 = tpu.vector_load %arg9[%swap3A_657, %swap3A_658] {strides = array<i32>} : memref<2x128xi32, #tpu.memory_space<vmem>>, vector<16xi32>,
      tpu.vector_store %arg9[%swap3A_657, %swap3A_658], %sub3A_655 {strides = array<i32>} : memref<2x128xi32, #tpu.memory_space<vmem>>, vector<16xi32>,
      %mul3A_660 = arith.constant 128 : i32
      %mul3A_661 = arith.muli %add3A_527, %mul3A_660 : i32
      %add3A_662 = arith.constant 96 : i32
      %add3A_663 = arith.addi %mul3A_661, %add3A_662 : i32
      %get3A_664 = arith.index_cast %add3A_663 : i32 to index
      %get3A_665 = tpu.vector_load %arg7[%get3A_664] {strides = array<i32>} : memref<21544xi32, #tpu.memory_space<vmem>>, vector<16xi32>,
      %shift_right_logical3A_666 = arith.constant 14 : i32
      %shift_right_logical3A_667 = vector.broadcast %shift_right_logical3A_666 : i32 to vector<16xi32>
      %shift_right_logical3A_668 = arith.shrui %get3A_665, %shift_right_logical3A_667 : vector<16xi32>
      %swap3A_669 = arith.constant 0 : i32
      %swap3A_670 = arith.index_cast %swap3A_669 : i32 to index
      %swap3A_671 = arith.constant 96 : index
      %swap3A_672 = tpu.vector_load %arg8[%swap3A_670, %swap3A_671] {strides = array<i32>} : memref<2x128xi32, #tpu.memory_space<vmem>>, vector<16xi32>,
      tpu.vector_store %arg8[%swap3A_670, %swap3A_671], %shift_right_logical3A_668 {strides = array<i32>} : memref<2x128xi32, #tpu.memory_space<vmem>>, vector<16xi32>,
      %and3A_673 = arith.constant 16383 : i32
      %and3A_674 = vector.broadcast %and3A_673 : i32 to vector<16xi32>
      %and3A_675 = arith.andi %get3A_665, %and3A_674 : vector<16xi32>
      %sub3A_676 = vector.broadcast %mul3A_4 : i32 to vector<16xi32>
      %sub3A_677 = arith.subi %and3A_675, %sub3A_676 : vector<16xi32>
      %swap3A_678 = arith.constant 0 : i32
      %swap3A_679 = arith.index_cast %swap3A_678 : i32 to index
      %swap3A_680 = arith.constant 96 : index
      %swap3A_681 = tpu.vector_load %arg9[%swap3A_679, %swap3A_680] {strides = array<i32>} : memref<2x128xi32, #tpu.memory_space<vmem>>, vector<16xi32>,
      tpu.vector_store %arg9[%swap3A_679, %swap3A_680], %sub3A_677 {strides = array<i32>} : memref<2x128xi32, #tpu.memory_space<vmem>>, vector<16xi32>,
      %mul3A_682 = arith.constant 128 : i32
      %mul3A_683 = arith.muli %add3A_527, %mul3A_682 : i32
      %add3A_684 = arith.constant 112 : i32
      %add3A_685 = arith.addi %mul3A_683, %add3A_684 : i32
      %get3A_686 = arith.index_cast %add3A_685 : i32 to index
      %get3A_687 = tpu.vector_load %arg7[%get3A_686] {strides = array<i32>} : memref<21544xi32, #tpu.memory_space<vmem>>, vector<16xi32>,
      %shift_right_logical3A_688 = arith.constant 14 : i32
      %shift_right_logical3A_689 = vector.broadcast %shift_right_logical3A_688 : i32 to vector<16xi32>
      %shift_right_logical3A_690 = arith.shrui %get3A_687, %shift_right_logical3A_689 : vector<16xi32>
      %swap3A_691 = arith.constant 0 : i32
      %swap3A_692 = arith.index_cast %swap3A_691 : i32 to index
      %swap3A_693 = arith.constant 112 : index
      %swap3A_694 = tpu.vector_load %arg8[%swap3A_692, %swap3A_693] {strides = array<i32>} : memref<2x128xi32, #tpu.memory_space<vmem>>, vector<16xi32>,
      tpu.vector_store %arg8[%swap3A_692, %swap3A_693], %shift_right_logical3A_690 {strides = array<i32>} : memref<2x128xi32, #tpu.memory_space<vmem>>, vector<16xi32>,
      %and3A_695 = arith.constant 16383 : i32
      %and3A_696 = vector.broadcast %and3A_695 : i32 to vector<16xi32>
      %and3A_697 = arith.andi %get3A_687, %and3A_696 : vector<16xi32>
      %sub3A_698 = vector.broadcast %mul3A_4 : i32 to vector<16xi32>
      %sub3A_699 = arith.subi %and3A_697, %sub3A_698 : vector<16xi32>
      %swap3A_700 = arith.constant 0 : i32
      %swap3A_701 = arith.index_cast %swap3A_700 : i32 to index
      %swap3A_702 = arith.constant 112 : index
      %swap3A_703 = tpu.vector_load %arg9[%swap3A_701, %swap3A_702] {strides = array<i32>} : memref<2x128xi32, #tpu.memory_space<vmem>>, vector<16xi32>,
      tpu.vector_store %arg9[%swap3A_701, %swap3A_702], %sub3A_699 {strides = array<i32>} : memref<2x128xi32, #tpu.memory_space<vmem>>, vector<16xi32>,
      %add3A_704 = arith.constant 1 : i32
      %add3A_705 = arith.addi %add3A_499, %add3A_704 : i32
      %dma_start3A_706 = arith.constant 0 : i32
      %dma_start3A_707 = arith.constant 0 : i32
      %dma_start3A_708 = arith.constant 0 : i32
      %dma_start3A_709 = arith.constant 0 : i32
      %dma_start3A_710 = tpu.memref_slice %arg10[%dma_start3A_707, %dma_start3A_708, %dma_start3A_709] : memref<2x128x128xf32, #tpu.memory_space<vmem>> -> memref<1x128x128xf32, #tpu.memory_space<vmem>>
      %dma_start3A_711 = tpu.memref_squeeze %dma_start3A_710 : memref<1x128x128xf32, #tpu.memory_space<vmem>> -> memref<128x128xf32, #tpu.memory_space<vmem>>
      %dma_start3A_712 = arith.constant 0 : i32
      %dma_start3A_713 = tpu.memref_slice %arg8[%dma_start3A_706, %dma_start3A_712] : memref<2x128xi32, #tpu.memory_space<vmem>> -> memref<1x128xi32, #tpu.memory_space<vmem>>
      %dma_start3A_714 = tpu.memref_squeeze %dma_start3A_713 : memref<1x128xi32, #tpu.memory_space<vmem>> -> memref<128xi32, #tpu.memory_space<vmem>>
      %dma_start3A_715 = arith.constant 0 : i32
      %dma_start3A_716 = arith.constant 0 : i32
      %dma_start3A_717 = tpu.memref_slice %arg2[%dma_start3A_715, %dma_start3A_716] : memref<30000x128xf32, #tpu.memory_space<hbm>> -> memref<30000x128xf32, #tpu.memory_space<hbm>>
      tpu.enqueue_indirect_dma source(%dma_start3A_717 : memref<30000x128xf32, #tpu.memory_space<hbm>>) target(%dma_start3A_711 : memref<128x128xf32, #tpu.memory_space<vmem>>) offsets(%dma_start3A_714 : memref<128xi32, #tpu.memory_space<vmem>>) semaphore(%arg12 : memref<!tpu.dma_semaphore, #tpu.memory_space<semaphore_mem>>)
      %dma_start3A_718 = arith.constant 1 : i32
      %dma_start3A_719 = arith.constant 1 : i32
      %dma_start3A_720 = arith.constant 0 : i32
      %dma_start3A_721 = arith.constant 0 : i32
      %dma_start3A_722 = tpu.memref_slice %arg10[%dma_start3A_718, %dma_start3A_720, %dma_start3A_721] : memref<2x128x128xf32, #tpu.memory_space<vmem>> -> memref<1x128x128xf32, #tpu.memory_space<vmem>>
      %dma_start3A_723 = tpu.memref_squeeze %dma_start3A_722 : memref<1x128x128xf32, #tpu.memory_space<vmem>> -> memref<128x128xf32, #tpu.memory_space<vmem>>
      %dma_start3A_724 = arith.constant 0 : i32
      %dma_start3A_725 = tpu.memref_slice %arg9[%dma_start3A_719, %dma_start3A_724] : memref<2x128xi32, #tpu.memory_space<vmem>> -> memref<1x128xi32, #tpu.memory_space<vmem>>
      %dma_start3A_726 = tpu.memref_squeeze %dma_start3A_725 : memref<1x128xi32, #tpu.memory_space<vmem>> -> memref<128xi32, #tpu.memory_space<vmem>>
      %dma_start3A_727 = arith.constant 0 : i32
      %dma_start3A_728 = arith.constant 0 : i32
      %dma_start3A_729 = tpu.memref_slice %arg11[%dma_start3A_727, %dma_start3A_728] : memref<5248x128xf32, #tpu.memory_space<vmem_shared>> -> memref<5248x128xf32, #tpu.memory_space<vmem_shared>>
      tpu.enqueue_indirect_dma source(%dma_start3A_723 : memref<128x128xf32, #tpu.memory_space<vmem>>) target(%dma_start3A_729 : memref<5248x128xf32, #tpu.memory_space<vmem_shared>>) offsets(%dma_start3A_726 : memref<128xi32, #tpu.memory_space<vmem>>) semaphore(%arg15 : memref<!tpu.dma_semaphore, #tpu.memory_space<semaphore_mem>>) {add = true}
      %mul3A_730 = arith.constant 2 : i32
      %mul3A_731 = arith.muli %mul3A_730, %while3A_495 : i32
      %add3A_732 = arith.constant 2 : i32
      %add3A_733 = arith.addi %mul3A_731, %add3A_732 : i32
      %dma_wait3A_734 = arith.constant 0 : i32
      %dma_wait3A_735 = arith.constant 0 : i32
      %dma_wait3A_736 = arith.constant 0 : i32
      %dma_wait3A_737 = arith.constant 0 : i32
      %dma_wait3A_738 = tpu.memref_slice %arg10[%dma_wait3A_735, %dma_wait3A_736, %dma_wait3A_737] : memref<2x128x128xf32, #tpu.memory_space<vmem>> -> memref<1x128x128xf32, #tpu.memory_space<vmem>>
      %dma_wait3A_739 = tpu.memref_squeeze %dma_wait3A_738 : memref<1x128x128xf32, #tpu.memory_space<vmem>> -> memref<128x128xf32, #tpu.memory_space<vmem>>
      %dma_wait3A_740 = arith.constant 0 : i32
      %dma_wait3A_741 = tpu.memref_slice %arg8[%dma_wait3A_734, %dma_wait3A_740] : memref<2x128xi32, #tpu.memory_space<vmem>> -> memref<1x128xi32, #tpu.memory_space<vmem>>
      %dma_wait3A_742 = tpu.memref_squeeze %dma_wait3A_741 : memref<1x128xi32, #tpu.memory_space<vmem>> -> memref<128xi32, #tpu.memory_space<vmem>>
      %dma_wait3A_743 = arith.constant 0 : i32
      %dma_wait3A_744 = arith.constant 0 : i32
      %dma_wait3A_745 = tpu.memref_slice %arg2[%dma_wait3A_743, %dma_wait3A_744] : memref<30000x128xf32, #tpu.memory_space<hbm>> -> memref<30000x128xf32, #tpu.memory_space<hbm>>
      tpu.wait_indirect_dma semaphore(%arg12 : memref<!tpu.dma_semaphore, #tpu.memory_space<semaphore_mem>>) src(%dma_wait3A_745 : memref<30000x128xf32, #tpu.memory_space<hbm>>) dst(%dma_wait3A_739 : memref<128x128xf32, #tpu.memory_space<vmem>>)
      %sub3A_746 = arith.constant 1 : i32
      %sub3A_747 = arith.subi %add3A_733, %sub3A_746 : i32
      %dma_wait3A_748 = arith.constant 1 : i32
      %dma_wait3A_749 = arith.constant 1 : i32
      %dma_wait3A_750 = arith.constant 0 : i32
      %dma_wait3A_751 = arith.constant 0 : i32
      %dma_wait3A_752 = tpu.memref_slice %arg10[%dma_wait3A_748, %dma_wait3A_750, %dma_wait3A_751] : memref<2x128x128xf32, #tpu.memory_space<vmem>> -> memref<1x128x128xf32, #tpu.memory_space<vmem>>
      %dma_wait3A_753 = tpu.memref_squeeze %dma_wait3A_752 : memref<1x128x128xf32, #tpu.memory_space<vmem>> -> memref<128x128xf32, #tpu.memory_space<vmem>>
      %dma_wait3A_754 = arith.constant 0 : i32
      %dma_wait3A_755 = tpu.memref_slice %arg9[%dma_wait3A_749, %dma_wait3A_754] : memref<2x128xi32, #tpu.memory_space<vmem>> -> memref<1x128xi32, #tpu.memory_space<vmem>>
      %dma_wait3A_756 = tpu.memref_squeeze %dma_wait3A_755 : memref<1x128xi32, #tpu.memory_space<vmem>> -> memref<128xi32, #tpu.memory_space<vmem>>
      %dma_wait3A_757 = arith.constant 0 : i32
      %dma_wait3A_758 = arith.constant 0 : i32
      %dma_wait3A_759 = tpu.memref_slice %arg11[%dma_wait3A_757, %dma_wait3A_758] : memref<5248x128xf32, #tpu.memory_space<vmem_shared>> -> memref<5248x128xf32, #tpu.memory_space<vmem_shared>>
      tpu.wait_indirect_dma semaphore(%arg15 : memref<!tpu.dma_semaphore, #tpu.memory_space<semaphore_mem>>) src(%dma_wait3A_753 : memref<128x128xf32, #tpu.memory_space<vmem>>) dst(%dma_wait3A_759 : memref<5248x128xf32, #tpu.memory_space<vmem_shared>>)
      %add3A_760 = arith.constant 1 : i32
      %add3A_761 = arith.addi %add3A_733, %add3A_760 : i32
      %mul3A_762 = arith.constant 128 : i32
      %mul3A_763 = arith.muli %add3A_761, %mul3A_762 : i32
      %add3A_764 = arith.constant 0 : i32
      %add3A_765 = arith.addi %mul3A_763, %add3A_764 : i32
      %get3A_766 = arith.index_cast %add3A_765 : i32 to index
      %get3A_767 = tpu.vector_load %arg7[%get3A_766] {strides = array<i32>} : memref<21544xi32, #tpu.memory_space<vmem>>, vector<16xi32>,
      %shift_right_logical3A_768 = arith.constant 14 : i32
      %shift_right_logical3A_769 = vector.broadcast %shift_right_logical3A_768 : i32 to vector<16xi32>
      %shift_right_logical3A_770 = arith.shrui %get3A_767, %shift_right_logical3A_769 : vector<16xi32>
      %swap3A_771 = arith.constant 1 : i32
      %swap3A_772 = arith.index_cast %swap3A_771 : i32 to index
      %swap3A_773 = arith.constant 0 : index
      %swap3A_774 = tpu.vector_load %arg8[%swap3A_772, %swap3A_773] {strides = array<i32>} : memref<2x128xi32, #tpu.memory_space<vmem>>, vector<16xi32>,
      tpu.vector_store %arg8[%swap3A_772, %swap3A_773], %shift_right_logical3A_770 {strides = array<i32>} : memref<2x128xi32, #tpu.memory_space<vmem>>, vector<16xi32>,
      %and3A_775 = arith.constant 16383 : i32
      %and3A_776 = vector.broadcast %and3A_775 : i32 to vector<16xi32>
      %and3A_777 = arith.andi %get3A_767, %and3A_776 : vector<16xi32>
      %sub3A_778 = vector.broadcast %mul3A_4 : i32 to vector<16xi32>
      %sub3A_779 = arith.subi %and3A_777, %sub3A_778 : vector<16xi32>
      %swap3A_780 = arith.constant 1 : i32
      %swap3A_781 = arith.index_cast %swap3A_780 : i32 to index
      %swap3A_782 = arith.constant 0 : index
      %swap3A_783 = tpu.vector_load %arg9[%swap3A_781, %swap3A_782] {strides = array<i32>} : memref<2x128xi32, #tpu.memory_space<vmem>>, vector<16xi32>,
      tpu.vector_store %arg9[%swap3A_781, %swap3A_782], %sub3A_779 {strides = array<i32>} : memref<2x128xi32, #tpu.memory_space<vmem>>, vector<16xi32>,
      %mul3A_784 = arith.constant 128 : i32
      %mul3A_785 = arith.muli %add3A_761, %mul3A_784 : i32
      %add3A_786 = arith.constant 16 : i32
      %add3A_787 = arith.addi %mul3A_785, %add3A_786 : i32
      %get3A_788 = arith.index_cast %add3A_787 : i32 to index
      %get3A_789 = tpu.vector_load %arg7[%get3A_788] {strides = array<i32>} : memref<21544xi32, #tpu.memory_space<vmem>>, vector<16xi32>,
      %shift_right_logical3A_790 = arith.constant 14 : i32
      %shift_right_logical3A_791 = vector.broadcast %shift_right_logical3A_790 : i32 to vector<16xi32>
      %shift_right_logical3A_792 = arith.shrui %get3A_789, %shift_right_logical3A_791 : vector<16xi32>
      %swap3A_793 = arith.constant 1 : i32
      %swap3A_794 = arith.index_cast %swap3A_793 : i32 to index
      %swap3A_795 = arith.constant 16 : index
      %swap3A_796 = tpu.vector_load %arg8[%swap3A_794, %swap3A_795] {strides = array<i32>} : memref<2x128xi32, #tpu.memory_space<vmem>>, vector<16xi32>,
      tpu.vector_store %arg8[%swap3A_794, %swap3A_795], %shift_right_logical3A_792 {strides = array<i32>} : memref<2x128xi32, #tpu.memory_space<vmem>>, vector<16xi32>,
      %and3A_797 = arith.constant 16383 : i32
      %and3A_798 = vector.broadcast %and3A_797 : i32 to vector<16xi32>
      %and3A_799 = arith.andi %get3A_789, %and3A_798 : vector<16xi32>
      %sub3A_800 = vector.broadcast %mul3A_4 : i32 to vector<16xi32>
      %sub3A_801 = arith.subi %and3A_799, %sub3A_800 : vector<16xi32>
      %swap3A_802 = arith.constant 1 : i32
      %swap3A_803 = arith.index_cast %swap3A_802 : i32 to index
      %swap3A_804 = arith.constant 16 : index
      %swap3A_805 = tpu.vector_load %arg9[%swap3A_803, %swap3A_804] {strides = array<i32>} : memref<2x128xi32, #tpu.memory_space<vmem>>, vector<16xi32>,
      tpu.vector_store %arg9[%swap3A_803, %swap3A_804], %sub3A_801 {strides = array<i32>} : memref<2x128xi32, #tpu.memory_space<vmem>>, vector<16xi32>,
      %mul3A_806 = arith.constant 128 : i32
      %mul3A_807 = arith.muli %add3A_761, %mul3A_806 : i32
      %add3A_808 = arith.constant 32 : i32
      %add3A_809 = arith.addi %mul3A_807, %add3A_808 : i32
      %get3A_810 = arith.index_cast %add3A_809 : i32 to index
      %get3A_811 = tpu.vector_load %arg7[%get3A_810] {strides = array<i32>} : memref<21544xi32, #tpu.memory_space<vmem>>, vector<16xi32>,
      %shift_right_logical3A_812 = arith.constant 14 : i32
      %shift_right_logical3A_813 = vector.broadcast %shift_right_logical3A_812 : i32 to vector<16xi32>
      %shift_right_logical3A_814 = arith.shrui %get3A_811, %shift_right_logical3A_813 : vector<16xi32>
      %swap3A_815 = arith.constant 1 : i32
      %swap3A_816 = arith.index_cast %swap3A_815 : i32 to index
      %swap3A_817 = arith.constant 32 : index
      %swap3A_818 = tpu.vector_load %arg8[%swap3A_816, %swap3A_817] {strides = array<i32>} : memref<2x128xi32, #tpu.memory_space<vmem>>, vector<16xi32>,
      tpu.vector_store %arg8[%swap3A_816, %swap3A_817], %shift_right_logical3A_814 {strides = array<i32>} : memref<2x128xi32, #tpu.memory_space<vmem>>, vector<16xi32>,
      %and3A_819 = arith.constant 16383 : i32
      %and3A_820 = vector.broadcast %and3A_819 : i32 to vector<16xi32>
      %and3A_821 = arith.andi %get3A_811, %and3A_820 : vector<16xi32>
      %sub3A_822 = vector.broadcast %mul3A_4 : i32 to vector<16xi32>
      %sub3A_823 = arith.subi %and3A_821, %sub3A_822 : vector<16xi32>
      %swap3A_824 = arith.constant 1 : i32
      %swap3A_825 = arith.index_cast %swap3A_824 : i32 to index
      %swap3A_826 = arith.constant 32 : index
      %swap3A_827 = tpu.vector_load %arg9[%swap3A_825, %swap3A_826] {strides = array<i32>} : memref<2x128xi32, #tpu.memory_space<vmem>>, vector<16xi32>,
      tpu.vector_store %arg9[%swap3A_825, %swap3A_826], %sub3A_823 {strides = array<i32>} : memref<2x128xi32, #tpu.memory_space<vmem>>, vector<16xi32>,
      %mul3A_828 = arith.constant 128 : i32
      %mul3A_829 = arith.muli %add3A_761, %mul3A_828 : i32
      %add3A_830 = arith.constant 48 : i32
      %add3A_831 = arith.addi %mul3A_829, %add3A_830 : i32
      %get3A_832 = arith.index_cast %add3A_831 : i32 to index
      %get3A_833 = tpu.vector_load %arg7[%get3A_832] {strides = array<i32>} : memref<21544xi32, #tpu.memory_space<vmem>>, vector<16xi32>,
      %shift_right_logical3A_834 = arith.constant 14 : i32
      %shift_right_logical3A_835 = vector.broadcast %shift_right_logical3A_834 : i32 to vector<16xi32>
      %shift_right_logical3A_836 = arith.shrui %get3A_833, %shift_right_logical3A_835 : vector<16xi32>
      %swap3A_837 = arith.constant 1 : i32
      %swap3A_838 = arith.index_cast %swap3A_837 : i32 to index
      %swap3A_839 = arith.constant 48 : index
      %swap3A_840 = tpu.vector_load %arg8[%swap3A_838, %swap3A_839] {strides = array<i32>} : memref<2x128xi32, #tpu.memory_space<vmem>>, vector<16xi32>,
      tpu.vector_store %arg8[%swap3A_838, %swap3A_839], %shift_right_logical3A_836 {strides = array<i32>} : memref<2x128xi32, #tpu.memory_space<vmem>>, vector<16xi32>,
      %and3A_841 = arith.constant 16383 : i32
      %and3A_842 = vector.broadcast %and3A_841 : i32 to vector<16xi32>
      %and3A_843 = arith.andi %get3A_833, %and3A_842 : vector<16xi32>
      %sub3A_844 = vector.broadcast %mul3A_4 : i32 to vector<16xi32>
      %sub3A_845 = arith.subi %and3A_843, %sub3A_844 : vector<16xi32>
      %swap3A_846 = arith.constant 1 : i32
      %swap3A_847 = arith.index_cast %swap3A_846 : i32 to index
      %swap3A_848 = arith.constant 48 : index
      %swap3A_849 = tpu.vector_load %arg9[%swap3A_847, %swap3A_848] {strides = array<i32>} : memref<2x128xi32, #tpu.memory_space<vmem>>, vector<16xi32>,
      tpu.vector_store %arg9[%swap3A_847, %swap3A_848], %sub3A_845 {strides = array<i32>} : memref<2x128xi32, #tpu.memory_space<vmem>>, vector<16xi32>,
      %mul3A_850 = arith.constant 128 : i32
      %mul3A_851 = arith.muli %add3A_761, %mul3A_850 : i32
      %add3A_852 = arith.constant 64 : i32
      %add3A_853 = arith.addi %mul3A_851, %add3A_852 : i32
      %get3A_854 = arith.index_cast %add3A_853 : i32 to index
      %get3A_855 = tpu.vector_load %arg7[%get3A_854] {strides = array<i32>} : memref<21544xi32, #tpu.memory_space<vmem>>, vector<16xi32>,
      %shift_right_logical3A_856 = arith.constant 14 : i32
      %shift_right_logical3A_857 = vector.broadcast %shift_right_logical3A_856 : i32 to vector<16xi32>
      %shift_right_logical3A_858 = arith.shrui %get3A_855, %shift_right_logical3A_857 : vector<16xi32>
      %swap3A_859 = arith.constant 1 : i32
      %swap3A_860 = arith.index_cast %swap3A_859 : i32 to index
      %swap3A_861 = arith.constant 64 : index
      %swap3A_862 = tpu.vector_load %arg8[%swap3A_860, %swap3A_861] {strides = array<i32>} : memref<2x128xi32, #tpu.memory_space<vmem>>, vector<16xi32>,
      tpu.vector_store %arg8[%swap3A_860, %swap3A_861], %shift_right_logical3A_858 {strides = array<i32>} : memref<2x128xi32, #tpu.memory_space<vmem>>, vector<16xi32>,
      %and3A_863 = arith.constant 16383 : i32
      %and3A_864 = vector.broadcast %and3A_863 : i32 to vector<16xi32>
      %and3A_865 = arith.andi %get3A_855, %and3A_864 : vector<16xi32>
      %sub3A_866 = vector.broadcast %mul3A_4 : i32 to vector<16xi32>
      %sub3A_867 = arith.subi %and3A_865, %sub3A_866 : vector<16xi32>
      %swap3A_868 = arith.constant 1 : i32
      %swap3A_869 = arith.index_cast %swap3A_868 : i32 to index
      %swap3A_870 = arith.constant 64 : index
      %swap3A_871 = tpu.vector_load %arg9[%swap3A_869, %swap3A_870] {strides = array<i32>} : memref<2x128xi32, #tpu.memory_space<vmem>>, vector<16xi32>,
      tpu.vector_store %arg9[%swap3A_869, %swap3A_870], %sub3A_867 {strides = array<i32>} : memref<2x128xi32, #tpu.memory_space<vmem>>, vector<16xi32>,
      %mul3A_872 = arith.constant 128 : i32
      %mul3A_873 = arith.muli %add3A_761, %mul3A_872 : i32
      %add3A_874 = arith.constant 80 : i32
      %add3A_875 = arith.addi %mul3A_873, %add3A_874 : i32
      %get3A_876 = arith.index_cast %add3A_875 : i32 to index
      %get3A_877 = tpu.vector_load %arg7[%get3A_876] {strides = array<i32>} : memref<21544xi32, #tpu.memory_space<vmem>>, vector<16xi32>,
      %shift_right_logical3A_878 = arith.constant 14 : i32
      %shift_right_logical3A_879 = vector.broadcast %shift_right_logical3A_878 : i32 to vector<16xi32>
      %shift_right_logical3A_880 = arith.shrui %get3A_877, %shift_right_logical3A_879 : vector<16xi32>
      %swap3A_881 = arith.constant 1 : i32
      %swap3A_882 = arith.index_cast %swap3A_881 : i32 to index
      %swap3A_883 = arith.constant 80 : index
      %swap3A_884 = tpu.vector_load %arg8[%swap3A_882, %swap3A_883] {strides = array<i32>} : memref<2x128xi32, #tpu.memory_space<vmem>>, vector<16xi32>,
      tpu.vector_store %arg8[%swap3A_882, %swap3A_883], %shift_right_logical3A_880 {strides = array<i32>} : memref<2x128xi32, #tpu.memory_space<vmem>>, vector<16xi32>,
      %and3A_885 = arith.constant 16383 : i32
      %and3A_886 = vector.broadcast %and3A_885 : i32 to vector<16xi32>
      %and3A_887 = arith.andi %get3A_877, %and3A_886 : vector<16xi32>
      %sub3A_888 = vector.broadcast %mul3A_4 : i32 to vector<16xi32>
      %sub3A_889 = arith.subi %and3A_887, %sub3A_888 : vector<16xi32>
      %swap3A_890 = arith.constant 1 : i32
      %swap3A_891 = arith.index_cast %swap3A_890 : i32 to index
      %swap3A_892 = arith.constant 80 : index
      %swap3A_893 = tpu.vector_load %arg9[%swap3A_891, %swap3A_892] {strides = array<i32>} : memref<2x128xi32, #tpu.memory_space<vmem>>, vector<16xi32>,
      tpu.vector_store %arg9[%swap3A_891, %swap3A_892], %sub3A_889 {strides = array<i32>} : memref<2x128xi32, #tpu.memory_space<vmem>>, vector<16xi32>,
      %mul3A_894 = arith.constant 128 : i32
      %mul3A_895 = arith.muli %add3A_761, %mul3A_894 : i32
      %add3A_896 = arith.constant 96 : i32
      %add3A_897 = arith.addi %mul3A_895, %add3A_896 : i32
      %get3A_898 = arith.index_cast %add3A_897 : i32 to index
      %get3A_899 = tpu.vector_load %arg7[%get3A_898] {strides = array<i32>} : memref<21544xi32, #tpu.memory_space<vmem>>, vector<16xi32>,
      %shift_right_logical3A_900 = arith.constant 14 : i32
      %shift_right_logical3A_901 = vector.broadcast %shift_right_logical3A_900 : i32 to vector<16xi32>
      %shift_right_logical3A_902 = arith.shrui %get3A_899, %shift_right_logical3A_901 : vector<16xi32>
      %swap3A_903 = arith.constant 1 : i32
      %swap3A_904 = arith.index_cast %swap3A_903 : i32 to index
      %swap3A_905 = arith.constant 96 : index
      %swap3A_906 = tpu.vector_load %arg8[%swap3A_904, %swap3A_905] {strides = array<i32>} : memref<2x128xi32, #tpu.memory_space<vmem>>, vector<16xi32>,
      tpu.vector_store %arg8[%swap3A_904, %swap3A_905], %shift_right_logical3A_902 {strides = array<i32>} : memref<2x128xi32, #tpu.memory_space<vmem>>, vector<16xi32>,
      %and3A_907 = arith.constant 16383 : i32
      %and3A_908 = vector.broadcast %and3A_907 : i32 to vector<16xi32>
      %and3A_909 = arith.andi %get3A_899, %and3A_908 : vector<16xi32>
      %sub3A_910 = vector.broadcast %mul3A_4 : i32 to vector<16xi32>
      %sub3A_911 = arith.subi %and3A_909, %sub3A_910 : vector<16xi32>
      %swap3A_912 = arith.constant 1 : i32
      %swap3A_913 = arith.index_cast %swap3A_912 : i32 to index
      %swap3A_914 = arith.constant 96 : index
      %swap3A_915 = tpu.vector_load %arg9[%swap3A_913, %swap3A_914] {strides = array<i32>} : memref<2x128xi32, #tpu.memory_space<vmem>>, vector<16xi32>,
      tpu.vector_store %arg9[%swap3A_913, %swap3A_914], %sub3A_911 {strides = array<i32>} : memref<2x128xi32, #tpu.memory_space<vmem>>, vector<16xi32>,
      %mul3A_916 = arith.constant 128 : i32
      %mul3A_917 = arith.muli %add3A_761, %mul3A_916 : i32
      %add3A_918 = arith.constant 112 : i32
      %add3A_919 = arith.addi %mul3A_917, %add3A_918 : i32
      %get3A_920 = arith.index_cast %add3A_919 : i32 to index
      %get3A_921 = tpu.vector_load %arg7[%get3A_920] {strides = array<i32>} : memref<21544xi32, #tpu.memory_space<vmem>>, vector<16xi32>,
      %shift_right_logical3A_922 = arith.constant 14 : i32
      %shift_right_logical3A_923 = vector.broadcast %shift_right_logical3A_922 : i32 to vector<16xi32>
      %shift_right_logical3A_924 = arith.shrui %get3A_921, %shift_right_logical3A_923 : vector<16xi32>
      %swap3A_925 = arith.constant 1 : i32
      %swap3A_926 = arith.index_cast %swap3A_925 : i32 to index
      %swap3A_927 = arith.constant 112 : index
      %swap3A_928 = tpu.vector_load %arg8[%swap3A_926, %swap3A_927] {strides = array<i32>} : memref<2x128xi32, #tpu.memory_space<vmem>>, vector<16xi32>,
      tpu.vector_store %arg8[%swap3A_926, %swap3A_927], %shift_right_logical3A_924 {strides = array<i32>} : memref<2x128xi32, #tpu.memory_space<vmem>>, vector<16xi32>,
      %and3A_929 = arith.constant 16383 : i32
      %and3A_930 = vector.broadcast %and3A_929 : i32 to vector<16xi32>
      %and3A_931 = arith.andi %get3A_921, %and3A_930 : vector<16xi32>
      %sub3A_932 = vector.broadcast %mul3A_4 : i32 to vector<16xi32>
      %sub3A_933 = arith.subi %and3A_931, %sub3A_932 : vector<16xi32>
      %swap3A_934 = arith.constant 1 : i32
      %swap3A_935 = arith.index_cast %swap3A_934 : i32 to index
      %swap3A_936 = arith.constant 112 : index
      %swap3A_937 = tpu.vector_load %arg9[%swap3A_935, %swap3A_936] {strides = array<i32>} : memref<2x128xi32, #tpu.memory_space<vmem>>, vector<16xi32>,
      tpu.vector_store %arg9[%swap3A_935, %swap3A_936], %sub3A_933 {strides = array<i32>} : memref<2x128xi32, #tpu.memory_space<vmem>>, vector<16xi32>,
      %add3A_938 = arith.constant 1 : i32
      %add3A_939 = arith.addi %add3A_733, %add3A_938 : i32
      %dma_start3A_940 = arith.constant 1 : i32
      %dma_start3A_941 = arith.constant 1 : i32
      %dma_start3A_942 = arith.constant 0 : i32
      %dma_start3A_943 = arith.constant 0 : i32
      %dma_start3A_944 = tpu.memref_slice %arg10[%dma_start3A_941, %dma_start3A_942, %dma_start3A_943] : memref<2x128x128xf32, #tpu.memory_space<vmem>> -> memref<1x128x128xf32, #tpu.memory_space<vmem>>
      %dma_start3A_945 = tpu.memref_squeeze %dma_start3A_944 : memref<1x128x128xf32, #tpu.memory_space<vmem>> -> memref<128x128xf32, #tpu.memory_space<vmem>>
      %dma_start3A_946 = arith.constant 0 : i32
      %dma_start3A_947 = tpu.memref_slice %arg8[%dma_start3A_940, %dma_start3A_946] : memref<2x128xi32, #tpu.memory_space<vmem>> -> memref<1x128xi32, #tpu.memory_space<vmem>>
      %dma_start3A_948 = tpu.memref_squeeze %dma_start3A_947 : memref<1x128xi32, #tpu.memory_space<vmem>> -> memref<128xi32, #tpu.memory_space<vmem>>
      %dma_start3A_949 = arith.constant 0 : i32
      %dma_start3A_950 = arith.constant 0 : i32
      %dma_start3A_951 = tpu.memref_slice %arg2[%dma_start3A_949, %dma_start3A_950] : memref<30000x128xf32, #tpu.memory_space<hbm>> -> memref<30000x128xf32, #tpu.memory_space<hbm>>
      tpu.enqueue_indirect_dma source(%dma_start3A_951 : memref<30000x128xf32, #tpu.memory_space<hbm>>) target(%dma_start3A_945 : memref<128x128xf32, #tpu.memory_space<vmem>>) offsets(%dma_start3A_948 : memref<128xi32, #tpu.memory_space<vmem>>) semaphore(%arg13 : memref<!tpu.dma_semaphore, #tpu.memory_space<semaphore_mem>>)
      %dma_start3A_952 = arith.constant 0 : i32
      %dma_start3A_953 = arith.constant 0 : i32
      %dma_start3A_954 = arith.constant 0 : i32
      %dma_start3A_955 = arith.constant 0 : i32
      %dma_start3A_956 = tpu.memref_slice %arg10[%dma_start3A_952, %dma_start3A_954, %dma_start3A_955] : memref<2x128x128xf32, #tpu.memory_space<vmem>> -> memref<1x128x128xf32, #tpu.memory_space<vmem>>
      %dma_start3A_957 = tpu.memref_squeeze %dma_start3A_956 : memref<1x128x128xf32, #tpu.memory_space<vmem>> -> memref<128x128xf32, #tpu.memory_space<vmem>>
      %dma_start3A_958 = arith.constant 0 : i32
      %dma_start3A_959 = tpu.memref_slice %arg9[%dma_start3A_953, %dma_start3A_958] : memref<2x128xi32, #tpu.memory_space<vmem>> -> memref<1x128xi32, #tpu.memory_space<vmem>>
      %dma_start3A_960 = tpu.memref_squeeze %dma_start3A_959 : memref<1x128xi32, #tpu.memory_space<vmem>> -> memref<128xi32, #tpu.memory_space<vmem>>
      %dma_start3A_961 = arith.constant 0 : i32
      %dma_start3A_962 = arith.constant 0 : i32
      %dma_start3A_963 = tpu.memref_slice %arg11[%dma_start3A_961, %dma_start3A_962] : memref<5248x128xf32, #tpu.memory_space<vmem_shared>> -> memref<5248x128xf32, #tpu.memory_space<vmem_shared>>
      tpu.enqueue_indirect_dma source(%dma_start3A_957 : memref<128x128xf32, #tpu.memory_space<vmem>>) target(%dma_start3A_963 : memref<5248x128xf32, #tpu.memory_space<vmem_shared>>) offsets(%dma_start3A_960 : memref<128xi32, #tpu.memory_space<vmem>>) semaphore(%arg14 : memref<!tpu.dma_semaphore, #tpu.memory_space<semaphore_mem>>) {add = true}
    }
    %while3A_433 = arith.constant 1 : i32
    scf.for %while3A_495 = %while3A_431 to %while3A_427 step %while3A_433  : i32 {
      %mul3A_496 = arith.constant 2 : i32
      %mul3A_497 = arith.muli %mul3A_496, %while3A_495 : i32
      %add3A_498 = arith.constant 1 : i32
      %add3A_499 = arith.addi %mul3A_497, %add3A_498 : i32
      %dma_wait3A_500 = arith.constant 1 : i32
      %dma_wait3A_501 = arith.constant 1 : i32
      %dma_wait3A_502 = arith.constant 0 : i32
      %dma_wait3A_503 = arith.constant 0 : i32
      %dma_wait3A_504 = tpu.memref_slice %arg10[%dma_wait3A_501, %dma_wait3A_502, %dma_wait3A_503] : memref<2x128x128xf32, #tpu.memory_space<vmem>> -> memref<1x128x128xf32, #tpu.memory_space<vmem>>
      %dma_wait3A_505 = tpu.memref_squeeze %dma_wait3A_504 : memref<1x128x128xf32, #tpu.memory_space<vmem>> -> memref<128x128xf32, #tpu.memory_space<vmem>>
      %dma_wait3A_506 = arith.constant 0 : i32
      %dma_wait3A_507 = tpu.memref_slice %arg8[%dma_wait3A_500, %dma_wait3A_506] : memref<2x128xi32, #tpu.memory_space<vmem>> -> memref<1x128xi32, #tpu.memory_space<vmem>>
      %dma_wait3A_508 = tpu.memref_squeeze %dma_wait3A_507 : memref<1x128xi32, #tpu.memory_space<vmem>> -> memref<128xi32, #tpu.memory_space<vmem>>
      %dma_wait3A_509 = arith.constant 0 : i32
      %dma_wait3A_510 = arith.constant 0 : i32
      %dma_wait3A_511 = tpu.memref_slice %arg2[%dma_wait3A_509, %dma_wait3A_510] : memref<30000x128xf32, #tpu.memory_space<hbm>> -> memref<30000x128xf32, #tpu.memory_space<hbm>>
      tpu.wait_indirect_dma semaphore(%arg13 : memref<!tpu.dma_semaphore, #tpu.memory_space<semaphore_mem>>) src(%dma_wait3A_511 : memref<30000x128xf32, #tpu.memory_space<hbm>>) dst(%dma_wait3A_505 : memref<128x128xf32, #tpu.memory_space<vmem>>)
      %sub3A_512 = arith.constant 1 : i32
      %sub3A_513 = arith.subi %add3A_499, %sub3A_512 : i32
      %dma_wait3A_514 = arith.constant 0 : i32
      %dma_wait3A_515 = arith.constant 0 : i32
      %dma_wait3A_516 = arith.constant 0 : i32
      %dma_wait3A_517 = arith.constant 0 : i32
      %dma_wait3A_518 = tpu.memref_slice %arg10[%dma_wait3A_514, %dma_wait3A_516, %dma_wait3A_517] : memref<2x128x128xf32, #tpu.memory_space<vmem>> -> memref<1x128x128xf32, #tpu.memory_space<vmem>>
      %dma_wait3A_519 = tpu.memref_squeeze %dma_wait3A_518 : memref<1x128x128xf32, #tpu.memory_space<vmem>> -> memref<128x128xf32, #tpu.memory_space<vmem>>
      %dma_wait3A_520 = arith.constant 0 : i32
      %dma_wait3A_521 = tpu.memref_slice %arg9[%dma_wait3A_515, %dma_wait3A_520] : memref<2x128xi32, #tpu.memory_space<vmem>> -> memref<1x128xi32, #tpu.memory_space<vmem>>
      %dma_wait3A_522 = tpu.memref_squeeze %dma_wait3A_521 : memref<1x128xi32, #tpu.memory_space<vmem>> -> memref<128xi32, #tpu.memory_space<vmem>>
      %dma_wait3A_523 = arith.constant 0 : i32
      %dma_wait3A_524 = arith.constant 0 : i32
      %dma_wait3A_525 = tpu.memref_slice %arg11[%dma_wait3A_523, %dma_wait3A_524] : memref<5248x128xf32, #tpu.memory_space<vmem_shared>> -> memref<5248x128xf32, #tpu.memory_space<vmem_shared>>
      tpu.wait_indirect_dma semaphore(%arg14 : memref<!tpu.dma_semaphore, #tpu.memory_space<semaphore_mem>>) src(%dma_wait3A_519 : memref<128x128xf32, #tpu.memory_space<vmem>>) dst(%dma_wait3A_525 : memref<5248x128xf32, #tpu.memory_space<vmem_shared>>)
      %add3A_526 = arith.constant 1 : i32
      %add3A_527 = arith.addi %add3A_499, %add3A_526 : i32
      %mul3A_528 = arith.constant 128 : i32
      %mul3A_529 = arith.muli %add3A_527, %mul3A_528 : i32
      %add3A_530 = arith.constant 0 : i32
      %add3A_531 = arith.addi %mul3A_529, %add3A_530 : i32
      %get3A_532 = arith.index_cast %add3A_531 : i32 to index
      %get3A_533 = tpu.vector_load %arg7[%get3A_532] {strides = array<i32>} : memref<21544xi32, #tpu.memory_space<vmem>>, vector<16xi32>,
      %shift_right_logical3A_534 = arith.constant 14 : i32
      %shift_right_logical3A_535 = vector.broadcast %shift_right_logical3A_534 : i32 to vector<16xi32>
      %shift_right_logical3A_536 = arith.shrui %get3A_533, %shift_right_logical3A_535 : vector<16xi32>
      %swap3A_537 = arith.constant 0 : i32
      %swap3A_538 = arith.index_cast %swap3A_537 : i32 to index
      %swap3A_539 = arith.constant 0 : index
      %swap3A_540 = tpu.vector_load %arg8[%swap3A_538, %swap3A_539] {strides = array<i32>} : memref<2x128xi32, #tpu.memory_space<vmem>>, vector<16xi32>,
      tpu.vector_store %arg8[%swap3A_538, %swap3A_539], %shift_right_logical3A_536 {strides = array<i32>} : memref<2x128xi32, #tpu.memory_space<vmem>>, vector<16xi32>,
      %and3A_541 = arith.constant 16383 : i32
      %and3A_542 = vector.broadcast %and3A_541 : i32 to vector<16xi32>
      %and3A_543 = arith.andi %get3A_533, %and3A_542 : vector<16xi32>
      %sub3A_544 = vector.broadcast %mul3A_4 : i32 to vector<16xi32>
      %sub3A_545 = arith.subi %and3A_543, %sub3A_544 : vector<16xi32>
      %swap3A_546 = arith.constant 0 : i32
      %swap3A_547 = arith.index_cast %swap3A_546 : i32 to index
      %swap3A_548 = arith.constant 0 : index
      %swap3A_549 = tpu.vector_load %arg9[%swap3A_547, %swap3A_548] {strides = array<i32>} : memref<2x128xi32, #tpu.memory_space<vmem>>, vector<16xi32>,
      tpu.vector_store %arg9[%swap3A_547, %swap3A_548], %sub3A_545 {strides = array<i32>} : memref<2x128xi32, #tpu.memory_space<vmem>>, vector<16xi32>,
      %mul3A_550 = arith.constant 128 : i32
      %mul3A_551 = arith.muli %add3A_527, %mul3A_550 : i32
      %add3A_552 = arith.constant 16 : i32
      %add3A_553 = arith.addi %mul3A_551, %add3A_552 : i32
      %get3A_554 = arith.index_cast %add3A_553 : i32 to index
      %get3A_555 = tpu.vector_load %arg7[%get3A_554] {strides = array<i32>} : memref<21544xi32, #tpu.memory_space<vmem>>, vector<16xi32>,
      %shift_right_logical3A_556 = arith.constant 14 : i32
      %shift_right_logical3A_557 = vector.broadcast %shift_right_logical3A_556 : i32 to vector<16xi32>
      %shift_right_logical3A_558 = arith.shrui %get3A_555, %shift_right_logical3A_557 : vector<16xi32>
      %swap3A_559 = arith.constant 0 : i32
      %swap3A_560 = arith.index_cast %swap3A_559 : i32 to index
      %swap3A_561 = arith.constant 16 : index
      %swap3A_562 = tpu.vector_load %arg8[%swap3A_560, %swap3A_561] {strides = array<i32>} : memref<2x128xi32, #tpu.memory_space<vmem>>, vector<16xi32>,
      tpu.vector_store %arg8[%swap3A_560, %swap3A_561], %shift_right_logical3A_558 {strides = array<i32>} : memref<2x128xi32, #tpu.memory_space<vmem>>, vector<16xi32>,
      %and3A_563 = arith.constant 16383 : i32
      %and3A_564 = vector.broadcast %and3A_563 : i32 to vector<16xi32>
      %and3A_565 = arith.andi %get3A_555, %and3A_564 : vector<16xi32>
      %sub3A_566 = vector.broadcast %mul3A_4 : i32 to vector<16xi32>
      %sub3A_567 = arith.subi %and3A_565, %sub3A_566 : vector<16xi32>
      %swap3A_568 = arith.constant 0 : i32
      %swap3A_569 = arith.index_cast %swap3A_568 : i32 to index
      %swap3A_570 = arith.constant 16 : index
      %swap3A_571 = tpu.vector_load %arg9[%swap3A_569, %swap3A_570] {strides = array<i32>} : memref<2x128xi32, #tpu.memory_space<vmem>>, vector<16xi32>,
      tpu.vector_store %arg9[%swap3A_569, %swap3A_570], %sub3A_567 {strides = array<i32>} : memref<2x128xi32, #tpu.memory_space<vmem>>, vector<16xi32>,
      %mul3A_572 = arith.constant 128 : i32
      %mul3A_573 = arith.muli %add3A_527, %mul3A_572 : i32
      %add3A_574 = arith.constant 32 : i32
      %add3A_575 = arith.addi %mul3A_573, %add3A_574 : i32
      %get3A_576 = arith.index_cast %add3A_575 : i32 to index
      %get3A_577 = tpu.vector_load %arg7[%get3A_576] {strides = array<i32>} : memref<21544xi32, #tpu.memory_space<vmem>>, vector<16xi32>,
      %shift_right_logical3A_578 = arith.constant 14 : i32
      %shift_right_logical3A_579 = vector.broadcast %shift_right_logical3A_578 : i32 to vector<16xi32>
      %shift_right_logical3A_580 = arith.shrui %get3A_577, %shift_right_logical3A_579 : vector<16xi32>
      %swap3A_581 = arith.constant 0 : i32
      %swap3A_582 = arith.index_cast %swap3A_581 : i32 to index
      %swap3A_583 = arith.constant 32 : index
      %swap3A_584 = tpu.vector_load %arg8[%swap3A_582, %swap3A_583] {strides = array<i32>} : memref<2x128xi32, #tpu.memory_space<vmem>>, vector<16xi32>,
      tpu.vector_store %arg8[%swap3A_582, %swap3A_583], %shift_right_logical3A_580 {strides = array<i32>} : memref<2x128xi32, #tpu.memory_space<vmem>>, vector<16xi32>,
      %and3A_585 = arith.constant 16383 : i32
      %and3A_586 = vector.broadcast %and3A_585 : i32 to vector<16xi32>
      %and3A_587 = arith.andi %get3A_577, %and3A_586 : vector<16xi32>
      %sub3A_588 = vector.broadcast %mul3A_4 : i32 to vector<16xi32>
      %sub3A_589 = arith.subi %and3A_587, %sub3A_588 : vector<16xi32>
      %swap3A_590 = arith.constant 0 : i32
      %swap3A_591 = arith.index_cast %swap3A_590 : i32 to index
      %swap3A_592 = arith.constant 32 : index
      %swap3A_593 = tpu.vector_load %arg9[%swap3A_591, %swap3A_592] {strides = array<i32>} : memref<2x128xi32, #tpu.memory_space<vmem>>, vector<16xi32>,
      tpu.vector_store %arg9[%swap3A_591, %swap3A_592], %sub3A_589 {strides = array<i32>} : memref<2x128xi32, #tpu.memory_space<vmem>>, vector<16xi32>,
      %mul3A_594 = arith.constant 128 : i32
      %mul3A_595 = arith.muli %add3A_527, %mul3A_594 : i32
      %add3A_596 = arith.constant 48 : i32
      %add3A_597 = arith.addi %mul3A_595, %add3A_596 : i32
      %get3A_598 = arith.index_cast %add3A_597 : i32 to index
      %get3A_599 = tpu.vector_load %arg7[%get3A_598] {strides = array<i32>} : memref<21544xi32, #tpu.memory_space<vmem>>, vector<16xi32>,
      %shift_right_logical3A_600 = arith.constant 14 : i32
      %shift_right_logical3A_601 = vector.broadcast %shift_right_logical3A_600 : i32 to vector<16xi32>
      %shift_right_logical3A_602 = arith.shrui %get3A_599, %shift_right_logical3A_601 : vector<16xi32>
      %swap3A_603 = arith.constant 0 : i32
      %swap3A_604 = arith.index_cast %swap3A_603 : i32 to index
      %swap3A_605 = arith.constant 48 : index
      %swap3A_606 = tpu.vector_load %arg8[%swap3A_604, %swap3A_605] {strides = array<i32>} : memref<2x128xi32, #tpu.memory_space<vmem>>, vector<16xi32>,
      tpu.vector_store %arg8[%swap3A_604, %swap3A_605], %shift_right_logical3A_602 {strides = array<i32>} : memref<2x128xi32, #tpu.memory_space<vmem>>, vector<16xi32>,
      %and3A_607 = arith.constant 16383 : i32
      %and3A_608 = vector.broadcast %and3A_607 : i32 to vector<16xi32>
      %and3A_609 = arith.andi %get3A_599, %and3A_608 : vector<16xi32>
      %sub3A_610 = vector.broadcast %mul3A_4 : i32 to vector<16xi32>
      %sub3A_611 = arith.subi %and3A_609, %sub3A_610 : vector<16xi32>
      %swap3A_612 = arith.constant 0 : i32
      %swap3A_613 = arith.index_cast %swap3A_612 : i32 to index
      %swap3A_614 = arith.constant 48 : index
      %swap3A_615 = tpu.vector_load %arg9[%swap3A_613, %swap3A_614] {strides = array<i32>} : memref<2x128xi32, #tpu.memory_space<vmem>>, vector<16xi32>,
      tpu.vector_store %arg9[%swap3A_613, %swap3A_614], %sub3A_611 {strides = array<i32>} : memref<2x128xi32, #tpu.memory_space<vmem>>, vector<16xi32>,
      %mul3A_616 = arith.constant 128 : i32
      %mul3A_617 = arith.muli %add3A_527, %mul3A_616 : i32
      %add3A_618 = arith.constant 64 : i32
      %add3A_619 = arith.addi %mul3A_617, %add3A_618 : i32
      %get3A_620 = arith.index_cast %add3A_619 : i32 to index
      %get3A_621 = tpu.vector_load %arg7[%get3A_620] {strides = array<i32>} : memref<21544xi32, #tpu.memory_space<vmem>>, vector<16xi32>,
      %shift_right_logical3A_622 = arith.constant 14 : i32
      %shift_right_logical3A_623 = vector.broadcast %shift_right_logical3A_622 : i32 to vector<16xi32>
      %shift_right_logical3A_624 = arith.shrui %get3A_621, %shift_right_logical3A_623 : vector<16xi32>
      %swap3A_625 = arith.constant 0 : i32
      %swap3A_626 = arith.index_cast %swap3A_625 : i32 to index
      %swap3A_627 = arith.constant 64 : index
      %swap3A_628 = tpu.vector_load %arg8[%swap3A_626, %swap3A_627] {strides = array<i32>} : memref<2x128xi32, #tpu.memory_space<vmem>>, vector<16xi32>,
      tpu.vector_store %arg8[%swap3A_626, %swap3A_627], %shift_right_logical3A_624 {strides = array<i32>} : memref<2x128xi32, #tpu.memory_space<vmem>>, vector<16xi32>,
      %and3A_629 = arith.constant 16383 : i32
      %and3A_630 = vector.broadcast %and3A_629 : i32 to vector<16xi32>
      %and3A_631 = arith.andi %get3A_621, %and3A_630 : vector<16xi32>
      %sub3A_632 = vector.broadcast %mul3A_4 : i32 to vector<16xi32>
      %sub3A_633 = arith.subi %and3A_631, %sub3A_632 : vector<16xi32>
      %swap3A_634 = arith.constant 0 : i32
      %swap3A_635 = arith.index_cast %swap3A_634 : i32 to index
      %swap3A_636 = arith.constant 64 : index
      %swap3A_637 = tpu.vector_load %arg9[%swap3A_635, %swap3A_636] {strides = array<i32>} : memref<2x128xi32, #tpu.memory_space<vmem>>, vector<16xi32>,
      tpu.vector_store %arg9[%swap3A_635, %swap3A_636], %sub3A_633 {strides = array<i32>} : memref<2x128xi32, #tpu.memory_space<vmem>>, vector<16xi32>,
      %mul3A_638 = arith.constant 128 : i32
      %mul3A_639 = arith.muli %add3A_527, %mul3A_638 : i32
      %add3A_640 = arith.constant 80 : i32
      %add3A_641 = arith.addi %mul3A_639, %add3A_640 : i32
      %get3A_642 = arith.index_cast %add3A_641 : i32 to index
      %get3A_643 = tpu.vector_load %arg7[%get3A_642] {strides = array<i32>} : memref<21544xi32, #tpu.memory_space<vmem>>, vector<16xi32>,
      %shift_right_logical3A_644 = arith.constant 14 : i32
      %shift_right_logical3A_645 = vector.broadcast %shift_right_logical3A_644 : i32 to vector<16xi32>
      %shift_right_logical3A_646 = arith.shrui %get3A_643, %shift_right_logical3A_645 : vector<16xi32>
      %swap3A_647 = arith.constant 0 : i32
      %swap3A_648 = arith.index_cast %swap3A_647 : i32 to index
      %swap3A_649 = arith.constant 80 : index
      %swap3A_650 = tpu.vector_load %arg8[%swap3A_648, %swap3A_649] {strides = array<i32>} : memref<2x128xi32, #tpu.memory_space<vmem>>, vector<16xi32>,
      tpu.vector_store %arg8[%swap3A_648, %swap3A_649], %shift_right_logical3A_646 {strides = array<i32>} : memref<2x128xi32, #tpu.memory_space<vmem>>, vector<16xi32>,
      %and3A_651 = arith.constant 16383 : i32
      %and3A_652 = vector.broadcast %and3A_651 : i32 to vector<16xi32>
      %and3A_653 = arith.andi %get3A_643, %and3A_652 : vector<16xi32>
      %sub3A_654 = vector.broadcast %mul3A_4 : i32 to vector<16xi32>
      %sub3A_655 = arith.subi %and3A_653, %sub3A_654 : vector<16xi32>
      %swap3A_656 = arith.constant 0 : i32
      %swap3A_657 = arith.index_cast %swap3A_656 : i32 to index
      %swap3A_658 = arith.constant 80 : index
      %swap3A_659 = tpu.vector_load %arg9[%swap3A_657, %swap3A_658] {strides = array<i32>} : memref<2x128xi32, #tpu.memory_space<vmem>>, vector<16xi32>,
      tpu.vector_store %arg9[%swap3A_657, %swap3A_658], %sub3A_655 {strides = array<i32>} : memref<2x128xi32, #tpu.memory_space<vmem>>, vector<16xi32>,
      %mul3A_660 = arith.constant 128 : i32
      %mul3A_661 = arith.muli %add3A_527, %mul3A_660 : i32
      %add3A_662 = arith.constant 96 : i32
      %add3A_663 = arith.addi %mul3A_661, %add3A_662 : i32
      %get3A_664 = arith.index_cast %add3A_663 : i32 to index
      %get3A_665 = tpu.vector_load %arg7[%get3A_664] {strides = array<i32>} : memref<21544xi32, #tpu.memory_space<vmem>>, vector<16xi32>,
      %shift_right_logical3A_666 = arith.constant 14 : i32
      %shift_right_logical3A_667 = vector.broadcast %shift_right_logical3A_666 : i32 to vector<16xi32>
      %shift_right_logical3A_668 = arith.shrui %get3A_665, %shift_right_logical3A_667 : vector<16xi32>
      %swap3A_669 = arith.constant 0 : i32
      %swap3A_670 = arith.index_cast %swap3A_669 : i32 to index
      %swap3A_671 = arith.constant 96 : index
      %swap3A_672 = tpu.vector_load %arg8[%swap3A_670, %swap3A_671] {strides = array<i32>} : memref<2x128xi32, #tpu.memory_space<vmem>>, vector<16xi32>,
      tpu.vector_store %arg8[%swap3A_670, %swap3A_671], %shift_right_logical3A_668 {strides = array<i32>} : memref<2x128xi32, #tpu.memory_space<vmem>>, vector<16xi32>,
      %and3A_673 = arith.constant 16383 : i32
      %and3A_674 = vector.broadcast %and3A_673 : i32 to vector<16xi32>
      %and3A_675 = arith.andi %get3A_665, %and3A_674 : vector<16xi32>
      %sub3A_676 = vector.broadcast %mul3A_4 : i32 to vector<16xi32>
      %sub3A_677 = arith.subi %and3A_675, %sub3A_676 : vector<16xi32>
      %swap3A_678 = arith.constant 0 : i32
      %swap3A_679 = arith.index_cast %swap3A_678 : i32 to index
      %swap3A_680 = arith.constant 96 : index
      %swap3A_681 = tpu.vector_load %arg9[%swap3A_679, %swap3A_680] {strides = array<i32>} : memref<2x128xi32, #tpu.memory_space<vmem>>, vector<16xi32>,
      tpu.vector_store %arg9[%swap3A_679, %swap3A_680], %sub3A_677 {strides = array<i32>} : memref<2x128xi32, #tpu.memory_space<vmem>>, vector<16xi32>,
      %mul3A_682 = arith.constant 128 : i32
      %mul3A_683 = arith.muli %add3A_527, %mul3A_682 : i32
      %add3A_684 = arith.constant 112 : i32
      %add3A_685 = arith.addi %mul3A_683, %add3A_684 : i32
      %get3A_686 = arith.index_cast %add3A_685 : i32 to index
      %get3A_687 = tpu.vector_load %arg7[%get3A_686] {strides = array<i32>} : memref<21544xi32, #tpu.memory_space<vmem>>, vector<16xi32>,
      %shift_right_logical3A_688 = arith.constant 14 : i32
      %shift_right_logical3A_689 = vector.broadcast %shift_right_logical3A_688 : i32 to vector<16xi32>
      %shift_right_logical3A_690 = arith.shrui %get3A_687, %shift_right_logical3A_689 : vector<16xi32>
      %swap3A_691 = arith.constant 0 : i32
      %swap3A_692 = arith.index_cast %swap3A_691 : i32 to index
      %swap3A_693 = arith.constant 112 : index
      %swap3A_694 = tpu.vector_load %arg8[%swap3A_692, %swap3A_693] {strides = array<i32>} : memref<2x128xi32, #tpu.memory_space<vmem>>, vector<16xi32>,
      tpu.vector_store %arg8[%swap3A_692, %swap3A_693], %shift_right_logical3A_690 {strides = array<i32>} : memref<2x128xi32, #tpu.memory_space<vmem>>, vector<16xi32>,
      %and3A_695 = arith.constant 16383 : i32
      %and3A_696 = vector.broadcast %and3A_695 : i32 to vector<16xi32>
      %and3A_697 = arith.andi %get3A_687, %and3A_696 : vector<16xi32>
      %sub3A_698 = vector.broadcast %mul3A_4 : i32 to vector<16xi32>
      %sub3A_699 = arith.subi %and3A_697, %sub3A_698 : vector<16xi32>
      %swap3A_700 = arith.constant 0 : i32
      %swap3A_701 = arith.index_cast %swap3A_700 : i32 to index
      %swap3A_702 = arith.constant 112 : index
      %swap3A_703 = tpu.vector_load %arg9[%swap3A_701, %swap3A_702] {strides = array<i32>} : memref<2x128xi32, #tpu.memory_space<vmem>>, vector<16xi32>,
      tpu.vector_store %arg9[%swap3A_701, %swap3A_702], %sub3A_699 {strides = array<i32>} : memref<2x128xi32, #tpu.memory_space<vmem>>, vector<16xi32>,
      %add3A_704 = arith.constant 1 : i32
      %add3A_705 = arith.addi %add3A_499, %add3A_704 : i32
      %dma_start3A_706 = arith.constant 0 : i32
      %dma_start3A_707 = arith.constant 0 : i32
      %dma_start3A_708 = arith.constant 0 : i32
      %dma_start3A_709 = arith.constant 0 : i32
      %dma_start3A_710 = tpu.memref_slice %arg10[%dma_start3A_707, %dma_start3A_708, %dma_start3A_709] : memref<2x128x128xf32, #tpu.memory_space<vmem>> -> memref<1x128x128xf32, #tpu.memory_space<vmem>>
      %dma_start3A_711 = tpu.memref_squeeze %dma_start3A_710 : memref<1x128x128xf32, #tpu.memory_space<vmem>> -> memref<128x128xf32, #tpu.memory_space<vmem>>
      %dma_start3A_712 = arith.constant 0 : i32
      %dma_start3A_713 = tpu.memref_slice %arg8[%dma_start3A_706, %dma_start3A_712] : memref<2x128xi32, #tpu.memory_space<vmem>> -> memref<1x128xi32, #tpu.memory_space<vmem>>
      %dma_start3A_714 = tpu.memref_squeeze %dma_start3A_713 : memref<1x128xi32, #tpu.memory_space<vmem>> -> memref<128xi32, #tpu.memory_space<vmem>>
      %dma_start3A_715 = arith.constant 0 : i32
      %dma_start3A_716 = arith.constant 0 : i32
      %dma_start3A_717 = tpu.memref_slice %arg2[%dma_start3A_715, %dma_start3A_716] : memref<30000x128xf32, #tpu.memory_space<hbm>> -> memref<30000x128xf32, #tpu.memory_space<hbm>>
      tpu.enqueue_indirect_dma source(%dma_start3A_717 : memref<30000x128xf32, #tpu.memory_space<hbm>>) target(%dma_start3A_711 : memref<128x128xf32, #tpu.memory_space<vmem>>) offsets(%dma_start3A_714 : memref<128xi32, #tpu.memory_space<vmem>>) semaphore(%arg12 : memref<!tpu.dma_semaphore, #tpu.memory_space<semaphore_mem>>)
      %dma_start3A_718 = arith.constant 1 : i32
      %dma_start3A_719 = arith.constant 1 : i32
      %dma_start3A_720 = arith.constant 0 : i32
      %dma_start3A_721 = arith.constant 0 : i32
      %dma_start3A_722 = tpu.memref_slice %arg10[%dma_start3A_718, %dma_start3A_720, %dma_start3A_721] : memref<2x128x128xf32, #tpu.memory_space<vmem>> -> memref<1x128x128xf32, #tpu.memory_space<vmem>>
      %dma_start3A_723 = tpu.memref_squeeze %dma_start3A_722 : memref<1x128x128xf32, #tpu.memory_space<vmem>> -> memref<128x128xf32, #tpu.memory_space<vmem>>
      %dma_start3A_724 = arith.constant 0 : i32
      %dma_start3A_725 = tpu.memref_slice %arg9[%dma_start3A_719, %dma_start3A_724] : memref<2x128xi32, #tpu.memory_space<vmem>> -> memref<1x128xi32, #tpu.memory_space<vmem>>
      %dma_start3A_726 = tpu.memref_squeeze %dma_start3A_725 : memref<1x128xi32, #tpu.memory_space<vmem>> -> memref<128xi32, #tpu.memory_space<vmem>>
      %dma_start3A_727 = arith.constant 0 : i32
      %dma_start3A_728 = arith.constant 0 : i32
      %dma_start3A_729 = tpu.memref_slice %arg11[%dma_start3A_727, %dma_start3A_728] : memref<5248x128xf32, #tpu.memory_space<vmem_shared>> -> memref<5248x128xf32, #tpu.memory_space<vmem_shared>>
      tpu.enqueue_indirect_dma source(%dma_start3A_723 : memref<128x128xf32, #tpu.memory_space<vmem>>) target(%dma_start3A_729 : memref<5248x128xf32, #tpu.memory_space<vmem_shared>>) offsets(%dma_start3A_726 : memref<128xi32, #tpu.memory_space<vmem>>) semaphore(%arg15 : memref<!tpu.dma_semaphore, #tpu.memory_space<semaphore_mem>>) {add = true}
      %mul3A_730 = arith.constant 2 : i32
      %mul3A_731 = arith.muli %mul3A_730, %while3A_495 : i32
      %add3A_732 = arith.constant 2 : i32
      %add3A_733 = arith.addi %mul3A_731, %add3A_732 : i32
      %dma_wait3A_734 = arith.constant 0 : i32
      %dma_wait3A_735 = arith.constant 0 : i32
      %dma_wait3A_736 = arith.constant 0 : i32
      %dma_wait3A_737 = arith.constant 0 : i32
      %dma_wait3A_738 = tpu.memref_slice %arg10[%dma_wait3A_735, %dma_wait3A_736, %dma_wait3A_737] : memref<2x128x128xf32, #tpu.memory_space<vmem>> -> memref<1x128x128xf32, #tpu.memory_space<vmem>>
      %dma_wait3A_739 = tpu.memref_squeeze %dma_wait3A_738 : memref<1x128x128xf32, #tpu.memory_space<vmem>> -> memref<128x128xf32, #tpu.memory_space<vmem>>
      %dma_wait3A_740 = arith.constant 0 : i32
      %dma_wait3A_741 = tpu.memref_slice %arg8[%dma_wait3A_734, %dma_wait3A_740] : memref<2x128xi32, #tpu.memory_space<vmem>> -> memref<1x128xi32, #tpu.memory_space<vmem>>
      %dma_wait3A_742 = tpu.memref_squeeze %dma_wait3A_741 : memref<1x128xi32, #tpu.memory_space<vmem>> -> memref<128xi32, #tpu.memory_space<vmem>>
      %dma_wait3A_743 = arith.constant 0 : i32
      %dma_wait3A_744 = arith.constant 0 : i32
      %dma_wait3A_745 = tpu.memref_slice %arg2[%dma_wait3A_743, %dma_wait3A_744] : memref<30000x128xf32, #tpu.memory_space<hbm>> -> memref<30000x128xf32, #tpu.memory_space<hbm>>
      tpu.wait_indirect_dma semaphore(%arg12 : memref<!tpu.dma_semaphore, #tpu.memory_space<semaphore_mem>>) src(%dma_wait3A_745 : memref<30000x128xf32, #tpu.memory_space<hbm>>) dst(%dma_wait3A_739 : memref<128x128xf32, #tpu.memory_space<vmem>>)
      %sub3A_746 = arith.constant 1 : i32
      %sub3A_747 = arith.subi %add3A_733, %sub3A_746 : i32
      %dma_wait3A_748 = arith.constant 1 : i32
      %dma_wait3A_749 = arith.constant 1 : i32
      %dma_wait3A_750 = arith.constant 0 : i32
      %dma_wait3A_751 = arith.constant 0 : i32
      %dma_wait3A_752 = tpu.memref_slice %arg10[%dma_wait3A_748, %dma_wait3A_750, %dma_wait3A_751] : memref<2x128x128xf32, #tpu.memory_space<vmem>> -> memref<1x128x128xf32, #tpu.memory_space<vmem>>
      %dma_wait3A_753 = tpu.memref_squeeze %dma_wait3A_752 : memref<1x128x128xf32, #tpu.memory_space<vmem>> -> memref<128x128xf32, #tpu.memory_space<vmem>>
      %dma_wait3A_754 = arith.constant 0 : i32
      %dma_wait3A_755 = tpu.memref_slice %arg9[%dma_wait3A_749, %dma_wait3A_754] : memref<2x128xi32, #tpu.memory_space<vmem>> -> memref<1x128xi32, #tpu.memory_space<vmem>>
      %dma_wait3A_756 = tpu.memref_squeeze %dma_wait3A_755 : memref<1x128xi32, #tpu.memory_space<vmem>> -> memref<128xi32, #tpu.memory_space<vmem>>
      %dma_wait3A_757 = arith.constant 0 : i32
      %dma_wait3A_758 = arith.constant 0 : i32
      %dma_wait3A_759 = tpu.memref_slice %arg11[%dma_wait3A_757, %dma_wait3A_758] : memref<5248x128xf32, #tpu.memory_space<vmem_shared>> -> memref<5248x128xf32, #tpu.memory_space<vmem_shared>>
      tpu.wait_indirect_dma semaphore(%arg15 : memref<!tpu.dma_semaphore, #tpu.memory_space<semaphore_mem>>) src(%dma_wait3A_753 : memref<128x128xf32, #tpu.memory_space<vmem>>) dst(%dma_wait3A_759 : memref<5248x128xf32, #tpu.memory_space<vmem_shared>>)
      %add3A_760 = arith.constant 1 : i32
      %add3A_761 = arith.addi %add3A_733, %add3A_760 : i32
      %mul3A_762 = arith.constant 128 : i32
      %mul3A_763 = arith.muli %add3A_761, %mul3A_762 : i32
      %add3A_764 = arith.constant 0 : i32
      %add3A_765 = arith.addi %mul3A_763, %add3A_764 : i32
      %get3A_766 = arith.index_cast %add3A_765 : i32 to index
      %get3A_767 = tpu.vector_load %arg7[%get3A_766] {strides = array<i32>} : memref<21544xi32, #tpu.memory_space<vmem>>, vector<16xi32>,
      %shift_right_logical3A_768 = arith.constant 14 : i32
      %shift_right_logical3A_769 = vector.broadcast %shift_right_logical3A_768 : i32 to vector<16xi32>
      %shift_right_logical3A_770 = arith.shrui %get3A_767, %shift_right_logical3A_769 : vector<16xi32>
      %swap3A_771 = arith.constant 1 : i32
      %swap3A_772 = arith.index_cast %swap3A_771 : i32 to index
      %swap3A_773 = arith.constant 0 : index
      %swap3A_774 = tpu.vector_load %arg8[%swap3A_772, %swap3A_773] {strides = array<i32>} : memref<2x128xi32, #tpu.memory_space<vmem>>, vector<16xi32>,
      tpu.vector_store %arg8[%swap3A_772, %swap3A_773], %shift_right_logical3A_770 {strides = array<i32>} : memref<2x128xi32, #tpu.memory_space<vmem>>, vector<16xi32>,
      %and3A_775 = arith.constant 16383 : i32
      %and3A_776 = vector.broadcast %and3A_775 : i32 to vector<16xi32>
      %and3A_777 = arith.andi %get3A_767, %and3A_776 : vector<16xi32>
      %sub3A_778 = vector.broadcast %mul3A_4 : i32 to vector<16xi32>
      %sub3A_779 = arith.subi %and3A_777, %sub3A_778 : vector<16xi32>
      %swap3A_780 = arith.constant 1 : i32
      %swap3A_781 = arith.index_cast %swap3A_780 : i32 to index
      %swap3A_782 = arith.constant 0 : index
      %swap3A_783 = tpu.vector_load %arg9[%swap3A_781, %swap3A_782] {strides = array<i32>} : memref<2x128xi32, #tpu.memory_space<vmem>>, vector<16xi32>,
      tpu.vector_store %arg9[%swap3A_781, %swap3A_782], %sub3A_779 {strides = array<i32>} : memref<2x128xi32, #tpu.memory_space<vmem>>, vector<16xi32>,
      %mul3A_784 = arith.constant 128 : i32
      %mul3A_785 = arith.muli %add3A_761, %mul3A_784 : i32
      %add3A_786 = arith.constant 16 : i32
      %add3A_787 = arith.addi %mul3A_785, %add3A_786 : i32
      %get3A_788 = arith.index_cast %add3A_787 : i32 to index
      %get3A_789 = tpu.vector_load %arg7[%get3A_788] {strides = array<i32>} : memref<21544xi32, #tpu.memory_space<vmem>>, vector<16xi32>,
      %shift_right_logical3A_790 = arith.constant 14 : i32
      %shift_right_logical3A_791 = vector.broadcast %shift_right_logical3A_790 : i32 to vector<16xi32>
      %shift_right_logical3A_792 = arith.shrui %get3A_789, %shift_right_logical3A_791 : vector<16xi32>
      %swap3A_793 = arith.constant 1 : i32
      %swap3A_794 = arith.index_cast %swap3A_793 : i32 to index
      %swap3A_795 = arith.constant 16 : index
      %swap3A_796 = tpu.vector_load %arg8[%swap3A_794, %swap3A_795] {strides = array<i32>} : memref<2x128xi32, #tpu.memory_space<vmem>>, vector<16xi32>,
      tpu.vector_store %arg8[%swap3A_794, %swap3A_795], %shift_right_logical3A_792 {strides = array<i32>} : memref<2x128xi32, #tpu.memory_space<vmem>>, vector<16xi32>,
      %and3A_797 = arith.constant 16383 : i32
      %and3A_798 = vector.broadcast %and3A_797 : i32 to vector<16xi32>
      %and3A_799 = arith.andi %get3A_789, %and3A_798 : vector<16xi32>
      %sub3A_800 = vector.broadcast %mul3A_4 : i32 to vector<16xi32>
      %sub3A_801 = arith.subi %and3A_799, %sub3A_800 : vector<16xi32>
      %swap3A_802 = arith.constant 1 : i32
      %swap3A_803 = arith.index_cast %swap3A_802 : i32 to index
      %swap3A_804 = arith.constant 16 : index
      %swap3A_805 = tpu.vector_load %arg9[%swap3A_803, %swap3A_804] {strides = array<i32>} : memref<2x128xi32, #tpu.memory_space<vmem>>, vector<16xi32>,
      tpu.vector_store %arg9[%swap3A_803, %swap3A_804], %sub3A_801 {strides = array<i32>} : memref<2x128xi32, #tpu.memory_space<vmem>>, vector<16xi32>,
      %mul3A_806 = arith.constant 128 : i32
      %mul3A_807 = arith.muli %add3A_761, %mul3A_806 : i32
      %add3A_808 = arith.constant 32 : i32
      %add3A_809 = arith.addi %mul3A_807, %add3A_808 : i32
      %get3A_810 = arith.index_cast %add3A_809 : i32 to index
      %get3A_811 = tpu.vector_load %arg7[%get3A_810] {strides = array<i32>} : memref<21544xi32, #tpu.memory_space<vmem>>, vector<16xi32>,
      %shift_right_logical3A_812 = arith.constant 14 : i32
      %shift_right_logical3A_813 = vector.broadcast %shift_right_logical3A_812 : i32 to vector<16xi32>
      %shift_right_logical3A_814 = arith.shrui %get3A_811, %shift_right_logical3A_813 : vector<16xi32>
      %swap3A_815 = arith.constant 1 : i32
      %swap3A_816 = arith.index_cast %swap3A_815 : i32 to index
      %swap3A_817 = arith.constant 32 : index
      %swap3A_818 = tpu.vector_load %arg8[%swap3A_816, %swap3A_817] {strides = array<i32>} : memref<2x128xi32, #tpu.memory_space<vmem>>, vector<16xi32>,
      tpu.vector_store %arg8[%swap3A_816, %swap3A_817], %shift_right_logical3A_814 {strides = array<i32>} : memref<2x128xi32, #tpu.memory_space<vmem>>, vector<16xi32>,
      %and3A_819 = arith.constant 16383 : i32
      %and3A_820 = vector.broadcast %and3A_819 : i32 to vector<16xi32>
      %and3A_821 = arith.andi %get3A_811, %and3A_820 : vector<16xi32>
      %sub3A_822 = vector.broadcast %mul3A_4 : i32 to vector<16xi32>
      %sub3A_823 = arith.subi %and3A_821, %sub3A_822 : vector<16xi32>
      %swap3A_824 = arith.constant 1 : i32
      %swap3A_825 = arith.index_cast %swap3A_824 : i32 to index
      %swap3A_826 = arith.constant 32 : index
      %swap3A_827 = tpu.vector_load %arg9[%swap3A_825, %swap3A_826] {strides = array<i32>} : memref<2x128xi32, #tpu.memory_space<vmem>>, vector<16xi32>,
      tpu.vector_store %arg9[%swap3A_825, %swap3A_826], %sub3A_823 {strides = array<i32>} : memref<2x128xi32, #tpu.memory_space<vmem>>, vector<16xi32>,
      %mul3A_828 = arith.constant 128 : i32
      %mul3A_829 = arith.muli %add3A_761, %mul3A_828 : i32
      %add3A_830 = arith.constant 48 : i32
      %add3A_831 = arith.addi %mul3A_829, %add3A_830 : i32
      %get3A_832 = arith.index_cast %add3A_831 : i32 to index
      %get3A_833 = tpu.vector_load %arg7[%get3A_832] {strides = array<i32>} : memref<21544xi32, #tpu.memory_space<vmem>>, vector<16xi32>,
      %shift_right_logical3A_834 = arith.constant 14 : i32
      %shift_right_logical3A_835 = vector.broadcast %shift_right_logical3A_834 : i32 to vector<16xi32>
      %shift_right_logical3A_836 = arith.shrui %get3A_833, %shift_right_logical3A_835 : vector<16xi32>
      %swap3A_837 = arith.constant 1 : i32
      %swap3A_838 = arith.index_cast %swap3A_837 : i32 to index
      %swap3A_839 = arith.constant 48 : index
      %swap3A_840 = tpu.vector_load %arg8[%swap3A_838, %swap3A_839] {strides = array<i32>} : memref<2x128xi32, #tpu.memory_space<vmem>>, vector<16xi32>,
      tpu.vector_store %arg8[%swap3A_838, %swap3A_839], %shift_right_logical3A_836 {strides = array<i32>} : memref<2x128xi32, #tpu.memory_space<vmem>>, vector<16xi32>,
      %and3A_841 = arith.constant 16383 : i32
      %and3A_842 = vector.broadcast %and3A_841 : i32 to vector<16xi32>
      %and3A_843 = arith.andi %get3A_833, %and3A_842 : vector<16xi32>
      %sub3A_844 = vector.broadcast %mul3A_4 : i32 to vector<16xi32>
      %sub3A_845 = arith.subi %and3A_843, %sub3A_844 : vector<16xi32>
      %swap3A_846 = arith.constant 1 : i32
      %swap3A_847 = arith.index_cast %swap3A_846 : i32 to index
      %swap3A_848 = arith.constant 48 : index
      %swap3A_849 = tpu.vector_load %arg9[%swap3A_847, %swap3A_848] {strides = array<i32>} : memref<2x128xi32, #tpu.memory_space<vmem>>, vector<16xi32>,
      tpu.vector_store %arg9[%swap3A_847, %swap3A_848], %sub3A_845 {strides = array<i32>} : memref<2x128xi32, #tpu.memory_space<vmem>>, vector<16xi32>,
      %mul3A_850 = arith.constant 128 : i32
      %mul3A_851 = arith.muli %add3A_761, %mul3A_850 : i32
      %add3A_852 = arith.constant 64 : i32
      %add3A_853 = arith.addi %mul3A_851, %add3A_852 : i32
      %get3A_854 = arith.index_cast %add3A_853 : i32 to index
      %get3A_855 = tpu.vector_load %arg7[%get3A_854] {strides = array<i32>} : memref<21544xi32, #tpu.memory_space<vmem>>, vector<16xi32>,
      %shift_right_logical3A_856 = arith.constant 14 : i32
      %shift_right_logical3A_857 = vector.broadcast %shift_right_logical3A_856 : i32 to vector<16xi32>
      %shift_right_logical3A_858 = arith.shrui %get3A_855, %shift_right_logical3A_857 : vector<16xi32>
      %swap3A_859 = arith.constant 1 : i32
      %swap3A_860 = arith.index_cast %swap3A_859 : i32 to index
      %swap3A_861 = arith.constant 64 : index
      %swap3A_862 = tpu.vector_load %arg8[%swap3A_860, %swap3A_861] {strides = array<i32>} : memref<2x128xi32, #tpu.memory_space<vmem>>, vector<16xi32>,
      tpu.vector_store %arg8[%swap3A_860, %swap3A_861], %shift_right_logical3A_858 {strides = array<i32>} : memref<2x128xi32, #tpu.memory_space<vmem>>, vector<16xi32>,
      %and3A_863 = arith.constant 16383 : i32
      %and3A_864 = vector.broadcast %and3A_863 : i32 to vector<16xi32>
      %and3A_865 = arith.andi %get3A_855, %and3A_864 : vector<16xi32>
      %sub3A_866 = vector.broadcast %mul3A_4 : i32 to vector<16xi32>
      %sub3A_867 = arith.subi %and3A_865, %sub3A_866 : vector<16xi32>
      %swap3A_868 = arith.constant 1 : i32
      %swap3A_869 = arith.index_cast %swap3A_868 : i32 to index
      %swap3A_870 = arith.constant 64 : index
      %swap3A_871 = tpu.vector_load %arg9[%swap3A_869, %swap3A_870] {strides = array<i32>} : memref<2x128xi32, #tpu.memory_space<vmem>>, vector<16xi32>,
      tpu.vector_store %arg9[%swap3A_869, %swap3A_870], %sub3A_867 {strides = array<i32>} : memref<2x128xi32, #tpu.memory_space<vmem>>, vector<16xi32>,
      %mul3A_872 = arith.constant 128 : i32
      %mul3A_873 = arith.muli %add3A_761, %mul3A_872 : i32
      %add3A_874 = arith.constant 80 : i32
      %add3A_875 = arith.addi %mul3A_873, %add3A_874 : i32
      %get3A_876 = arith.index_cast %add3A_875 : i32 to index
      %get3A_877 = tpu.vector_load %arg7[%get3A_876] {strides = array<i32>} : memref<21544xi32, #tpu.memory_space<vmem>>, vector<16xi32>,
      %shift_right_logical3A_878 = arith.constant 14 : i32
      %shift_right_logical3A_879 = vector.broadcast %shift_right_logical3A_878 : i32 to vector<16xi32>
      %shift_right_logical3A_880 = arith.shrui %get3A_877, %shift_right_logical3A_879 : vector<16xi32>
      %swap3A_881 = arith.constant 1 : i32
      %swap3A_882 = arith.index_cast %swap3A_881 : i32 to index
      %swap3A_883 = arith.constant 80 : index
      %swap3A_884 = tpu.vector_load %arg8[%swap3A_882, %swap3A_883] {strides = array<i32>} : memref<2x128xi32, #tpu.memory_space<vmem>>, vector<16xi32>,
      tpu.vector_store %arg8[%swap3A_882, %swap3A_883], %shift_right_logical3A_880 {strides = array<i32>} : memref<2x128xi32, #tpu.memory_space<vmem>>, vector<16xi32>,
      %and3A_885 = arith.constant 16383 : i32
      %and3A_886 = vector.broadcast %and3A_885 : i32 to vector<16xi32>
      %and3A_887 = arith.andi %get3A_877, %and3A_886 : vector<16xi32>
      %sub3A_888 = vector.broadcast %mul3A_4 : i32 to vector<16xi32>
      %sub3A_889 = arith.subi %and3A_887, %sub3A_888 : vector<16xi32>
      %swap3A_890 = arith.constant 1 : i32
      %swap3A_891 = arith.index_cast %swap3A_890 : i32 to index
      %swap3A_892 = arith.constant 80 : index
      %swap3A_893 = tpu.vector_load %arg9[%swap3A_891, %swap3A_892] {strides = array<i32>} : memref<2x128xi32, #tpu.memory_space<vmem>>, vector<16xi32>,
      tpu.vector_store %arg9[%swap3A_891, %swap3A_892], %sub3A_889 {strides = array<i32>} : memref<2x128xi32, #tpu.memory_space<vmem>>, vector<16xi32>,
      %mul3A_894 = arith.constant 128 : i32
      %mul3A_895 = arith.muli %add3A_761, %mul3A_894 : i32
      %add3A_896 = arith.constant 96 : i32
      %add3A_897 = arith.addi %mul3A_895, %add3A_896 : i32
      %get3A_898 = arith.index_cast %add3A_897 : i32 to index
      %get3A_899 = tpu.vector_load %arg7[%get3A_898] {strides = array<i32>} : memref<21544xi32, #tpu.memory_space<vmem>>, vector<16xi32>,
      %shift_right_logical3A_900 = arith.constant 14 : i32
      %shift_right_logical3A_901 = vector.broadcast %shift_right_logical3A_900 : i32 to vector<16xi32>
      %shift_right_logical3A_902 = arith.shrui %get3A_899, %shift_right_logical3A_901 : vector<16xi32>
      %swap3A_903 = arith.constant 1 : i32
      %swap3A_904 = arith.index_cast %swap3A_903 : i32 to index
      %swap3A_905 = arith.constant 96 : index
      %swap3A_906 = tpu.vector_load %arg8[%swap3A_904, %swap3A_905] {strides = array<i32>} : memref<2x128xi32, #tpu.memory_space<vmem>>, vector<16xi32>,
      tpu.vector_store %arg8[%swap3A_904, %swap3A_905], %shift_right_logical3A_902 {strides = array<i32>} : memref<2x128xi32, #tpu.memory_space<vmem>>, vector<16xi32>,
      %and3A_907 = arith.constant 16383 : i32
      %and3A_908 = vector.broadcast %and3A_907 : i32 to vector<16xi32>
      %and3A_909 = arith.andi %get3A_899, %and3A_908 : vector<16xi32>
      %sub3A_910 = vector.broadcast %mul3A_4 : i32 to vector<16xi32>
      %sub3A_911 = arith.subi %and3A_909, %sub3A_910 : vector<16xi32>
      %swap3A_912 = arith.constant 1 : i32
      %swap3A_913 = arith.index_cast %swap3A_912 : i32 to index
      %swap3A_914 = arith.constant 96 : index
      %swap3A_915 = tpu.vector_load %arg9[%swap3A_913, %swap3A_914] {strides = array<i32>} : memref<2x128xi32, #tpu.memory_space<vmem>>, vector<16xi32>,
      tpu.vector_store %arg9[%swap3A_913, %swap3A_914], %sub3A_911 {strides = array<i32>} : memref<2x128xi32, #tpu.memory_space<vmem>>, vector<16xi32>,
      %mul3A_916 = arith.constant 128 : i32
      %mul3A_917 = arith.muli %add3A_761, %mul3A_916 : i32
      %add3A_918 = arith.constant 112 : i32
      %add3A_919 = arith.addi %mul3A_917, %add3A_918 : i32
      %get3A_920 = arith.index_cast %add3A_919 : i32 to index
      %get3A_921 = tpu.vector_load %arg7[%get3A_920] {strides = array<i32>} : memref<21544xi32, #tpu.memory_space<vmem>>, vector<16xi32>,
      %shift_right_logical3A_922 = arith.constant 14 : i32
      %shift_right_logical3A_923 = vector.broadcast %shift_right_logical3A_922 : i32 to vector<16xi32>
      %shift_right_logical3A_924 = arith.shrui %get3A_921, %shift_right_logical3A_923 : vector<16xi32>
      %swap3A_925 = arith.constant 1 : i32
      %swap3A_926 = arith.index_cast %swap3A_925 : i32 to index
      %swap3A_927 = arith.constant 112 : index
      %swap3A_928 = tpu.vector_load %arg8[%swap3A_926, %swap3A_927] {strides = array<i32>} : memref<2x128xi32, #tpu.memory_space<vmem>>, vector<16xi32>,
      tpu.vector_store %arg8[%swap3A_926, %swap3A_927], %shift_right_logical3A_924 {strides = array<i32>} : memref<2x128xi32, #tpu.memory_space<vmem>>, vector<16xi32>,
      %and3A_929 = arith.constant 16383 : i32
      %and3A_930 = vector.broadcast %and3A_929 : i32 to vector<16xi32>
      %and3A_931 = arith.andi %get3A_921, %and3A_930 : vector<16xi32>
      %sub3A_932 = vector.broadcast %mul3A_4 : i32 to vector<16xi32>
      %sub3A_933 = arith.subi %and3A_931, %sub3A_932 : vector<16xi32>
      %swap3A_934 = arith.constant 1 : i32
      %swap3A_935 = arith.index_cast %swap3A_934 : i32 to index
      %swap3A_936 = arith.constant 112 : index
      %swap3A_937 = tpu.vector_load %arg9[%swap3A_935, %swap3A_936] {strides = array<i32>} : memref<2x128xi32, #tpu.memory_space<vmem>>, vector<16xi32>,
      tpu.vector_store %arg9[%swap3A_935, %swap3A_936], %sub3A_933 {strides = array<i32>} : memref<2x128xi32, #tpu.memory_space<vmem>>, vector<16xi32>,
      %add3A_938 = arith.constant 1 : i32
      %add3A_939 = arith.addi %add3A_733, %add3A_938 : i32
      %dma_start3A_940 = arith.constant 1 : i32
      %dma_start3A_941 = arith.constant 1 : i32
      %dma_start3A_942 = arith.constant 0 : i32
      %dma_start3A_943 = arith.constant 0 : i32
      %dma_start3A_944 = tpu.memref_slice %arg10[%dma_start3A_941, %dma_start3A_942, %dma_start3A_943] : memref<2x128x128xf32, #tpu.memory_space<vmem>> -> memref<1x128x128xf32, #tpu.memory_space<vmem>>
      %dma_start3A_945 = tpu.memref_squeeze %dma_start3A_944 : memref<1x128x128xf32, #tpu.memory_space<vmem>> -> memref<128x128xf32, #tpu.memory_space<vmem>>
      %dma_start3A_946 = arith.constant 0 : i32
      %dma_start3A_947 = tpu.memref_slice %arg8[%dma_start3A_940, %dma_start3A_946] : memref<2x128xi32, #tpu.memory_space<vmem>> -> memref<1x128xi32, #tpu.memory_space<vmem>>
      %dma_start3A_948 = tpu.memref_squeeze %dma_start3A_947 : memref<1x128xi32, #tpu.memory_space<vmem>> -> memref<128xi32, #tpu.memory_space<vmem>>
      %dma_start3A_949 = arith.constant 0 : i32
      %dma_start3A_950 = arith.constant 0 : i32
      %dma_start3A_951 = tpu.memref_slice %arg2[%dma_start3A_949, %dma_start3A_950] : memref<30000x128xf32, #tpu.memory_space<hbm>> -> memref<30000x128xf32, #tpu.memory_space<hbm>>
      tpu.enqueue_indirect_dma source(%dma_start3A_951 : memref<30000x128xf32, #tpu.memory_space<hbm>>) target(%dma_start3A_945 : memref<128x128xf32, #tpu.memory_space<vmem>>) offsets(%dma_start3A_948 : memref<128xi32, #tpu.memory_space<vmem>>) semaphore(%arg13 : memref<!tpu.dma_semaphore, #tpu.memory_space<semaphore_mem>>)
      %dma_start3A_952 = arith.constant 0 : i32
      %dma_start3A_953 = arith.constant 0 : i32
      %dma_start3A_954 = arith.constant 0 : i32
      %dma_start3A_955 = arith.constant 0 : i32
      %dma_start3A_956 = tpu.memref_slice %arg10[%dma_start3A_952, %dma_start3A_954, %dma_start3A_955] : memref<2x128x128xf32, #tpu.memory_space<vmem>> -> memref<1x128x128xf32, #tpu.memory_space<vmem>>
      %dma_start3A_957 = tpu.memref_squeeze %dma_start3A_956 : memref<1x128x128xf32, #tpu.memory_space<vmem>> -> memref<128x128xf32, #tpu.memory_space<vmem>>
      %dma_start3A_958 = arith.constant 0 : i32
      %dma_start3A_959 = tpu.memref_slice %arg9[%dma_start3A_953, %dma_start3A_958] : memref<2x128xi32, #tpu.memory_space<vmem>> -> memref<1x128xi32, #tpu.memory_space<vmem>>
      %dma_start3A_960 = tpu.memref_squeeze %dma_start3A_959 : memref<1x128xi32, #tpu.memory_space<vmem>> -> memref<128xi32, #tpu.memory_space<vmem>>
      %dma_start3A_961 = arith.constant 0 : i32
      %dma_start3A_962 = arith.constant 0 : i32
      %dma_start3A_963 = tpu.memref_slice %arg11[%dma_start3A_961, %dma_start3A_962] : memref<5248x128xf32, #tpu.memory_space<vmem_shared>> -> memref<5248x128xf32, #tpu.memory_space<vmem_shared>>
      tpu.enqueue_indirect_dma source(%dma_start3A_957 : memref<128x128xf32, #tpu.memory_space<vmem>>) target(%dma_start3A_963 : memref<5248x128xf32, #tpu.memory_space<vmem_shared>>) offsets(%dma_start3A_960 : memref<128xi32, #tpu.memory_space<vmem>>) semaphore(%arg14 : memref<!tpu.dma_semaphore, #tpu.memory_space<semaphore_mem>>) {add = true}
    }
    %sub3A_434 = arith.constant 1 : i32
    %sub3A_435 = arith.subi %max3A_67, %sub3A_434 : i32
    %dma_wait3A_436 = arith.constant 1 : i32
    %dma_wait3A_437 = arith.constant 1 : i32
    %dma_wait3A_438 = arith.constant 0 : i32
    %dma_wait3A_439 = arith.constant 0 : i32
    %dma_wait3A_440 = tpu.memref_slice %arg10[%dma_wait3A_437, %dma_wait3A_438, %dma_wait3A_439] : memref<2x128x128xf32, #tpu.memory_space<vmem>> -> memref<1x128x128xf32, #tpu.memory_space<vmem>>
    %dma_wait3A_441 = tpu.memref_squeeze %dma_wait3A_440 : memref<1x128x128xf32, #tpu.memory_space<vmem>> -> memref<128x128xf32, #tpu.memory_space<vmem>>
    %dma_wait3A_442 = arith.constant 0 : i32
    %dma_wait3A_443 = tpu.memref_slice %arg8[%dma_wait3A_436, %dma_wait3A_442] : memref<2x128xi32, #tpu.memory_space<vmem>> -> memref<1x128xi32, #tpu.memory_space<vmem>>
    %dma_wait3A_444 = tpu.memref_squeeze %dma_wait3A_443 : memref<1x128xi32, #tpu.memory_space<vmem>> -> memref<128xi32, #tpu.memory_space<vmem>>
    %dma_wait3A_445 = arith.constant 0 : i32
    %dma_wait3A_446 = arith.constant 0 : i32
    %dma_wait3A_447 = tpu.memref_slice %arg2[%dma_wait3A_445, %dma_wait3A_446] : memref<30000x128xf32, #tpu.memory_space<hbm>> -> memref<30000x128xf32, #tpu.memory_space<hbm>>
    tpu.wait_indirect_dma semaphore(%arg13 : memref<!tpu.dma_semaphore, #tpu.memory_space<semaphore_mem>>) src(%dma_wait3A_447 : memref<30000x128xf32, #tpu.memory_space<hbm>>) dst(%dma_wait3A_441 : memref<128x128xf32, #tpu.memory_space<vmem>>)
    %sub3A_448 = arith.constant 1 : i32
    %sub3A_449 = arith.subi %max3A_67, %sub3A_448 : i32
    %dma_start3A_450 = arith.constant 1 : i32
    %dma_start3A_451 = arith.constant 1 : i32
    %dma_start3A_452 = arith.constant 0 : i32
    %dma_start3A_453 = arith.constant 0 : i32
    %dma_start3A_454 = tpu.memref_slice %arg10[%dma_start3A_450, %dma_start3A_452, %dma_start3A_453] : memref<2x128x128xf32, #tpu.memory_space<vmem>> -> memref<1x128x128xf32, #tpu.memory_space<vmem>>
    %dma_start3A_455 = tpu.memref_squeeze %dma_start3A_454 : memref<1x128x128xf32, #tpu.memory_space<vmem>> -> memref<128x128xf32, #tpu.memory_space<vmem>>
    %dma_start3A_456 = arith.constant 0 : i32
    %dma_start3A_457 = tpu.memref_slice %arg9[%dma_start3A_451, %dma_start3A_456] : memref<2x128xi32, #tpu.memory_space<vmem>> -> memref<1x128xi32, #tpu.memory_space<vmem>>
    %dma_start3A_458 = tpu.memref_squeeze %dma_start3A_457 : memref<1x128xi32, #tpu.memory_space<vmem>> -> memref<128xi32, #tpu.memory_space<vmem>>
    %dma_start3A_459 = arith.constant 0 : i32
    %dma_start3A_460 = arith.constant 0 : i32
    %dma_start3A_461 = tpu.memref_slice %arg11[%dma_start3A_459, %dma_start3A_460] : memref<5248x128xf32, #tpu.memory_space<vmem_shared>> -> memref<5248x128xf32, #tpu.memory_space<vmem_shared>>
    tpu.enqueue_indirect_dma source(%dma_start3A_455 : memref<128x128xf32, #tpu.memory_space<vmem>>) target(%dma_start3A_461 : memref<5248x128xf32, #tpu.memory_space<vmem_shared>>) offsets(%dma_start3A_458 : memref<128xi32, #tpu.memory_space<vmem>>) semaphore(%arg15 : memref<!tpu.dma_semaphore, #tpu.memory_space<semaphore_mem>>) {add = true}
    %sub3A_462 = arith.constant 2 : i32
    %sub3A_463 = arith.subi %max3A_67, %sub3A_462 : i32
    %dma_wait3A_464 = arith.constant 0 : i32
    %dma_wait3A_465 = arith.constant 0 : i32
    %dma_wait3A_466 = arith.constant 0 : i32
    %dma_wait3A_467 = arith.constant 0 : i32
    %dma_wait3A_468 = tpu.memref_slice %arg10[%dma_wait3A_464, %dma_wait3A_466, %dma_wait3A_467] : memref<2x128x128xf32, #tpu.memory_space<vmem>> -> memref<1x128x128xf32, #tpu.memory_space<vmem>>
    %dma_wait3A_469 = tpu.memref_squeeze %dma_wait3A_468 : memref<1x128x128xf32, #tpu.memory_space<vmem>> -> memref<128x128xf32, #tpu.memory_space<vmem>>
    %dma_wait3A_470 = arith.constant 0 : i32
    %dma_wait3A_471 = tpu.memref_slice %arg9[%dma_wait3A_465, %dma_wait3A_470] : memref<2x128xi32, #tpu.memory_space<vmem>> -> memref<1x128xi32, #tpu.memory_space<vmem>>
    %dma_wait3A_472 = tpu.memref_squeeze %dma_wait3A_471 : memref<1x128xi32, #tpu.memory_space<vmem>> -> memref<128xi32, #tpu.memory_space<vmem>>
    %dma_wait3A_473 = arith.constant 0 : i32
    %dma_wait3A_474 = arith.constant 0 : i32
    %dma_wait3A_475 = tpu.memref_slice %arg11[%dma_wait3A_473, %dma_wait3A_474] : memref<5248x128xf32, #tpu.memory_space<vmem_shared>> -> memref<5248x128xf32, #tpu.memory_space<vmem_shared>>
    tpu.wait_indirect_dma semaphore(%arg14 : memref<!tpu.dma_semaphore, #tpu.memory_space<semaphore_mem>>) src(%dma_wait3A_469 : memref<128x128xf32, #tpu.memory_space<vmem>>) dst(%dma_wait3A_475 : memref<5248x128xf32, #tpu.memory_space<vmem_shared>>)
    %sub3A_476 = arith.constant 1 : i32
    %sub3A_477 = arith.subi %max3A_67, %sub3A_476 : i32
    %dma_wait3A_478 = arith.constant 1 : i32
    %dma_wait3A_479 = arith.constant 1 : i32
    %dma_wait3A_480 = arith.constant 0 : i32
    %dma_wait3A_481 = arith.constant 0 : i32
    %dma_wait3A_482 = tpu.memref_slice %arg10[%dma_wait3A_478, %dma_wait3A_480, %dma_wait3A_481] : memref<2x128x128xf32, #tpu.memory_space<vmem>> -> memref<1x128x128xf32, #tpu.memory_space<vmem>>
    %dma_wait3A_483 = tpu.memref_squeeze %dma_wait3A_482 : memref<1x128x128xf32, #tpu.memory_space<vmem>> -> memref<128x128xf32, #tpu.memory_space<vmem>>
    %dma_wait3A_484 = arith.constant 0 : i32
    %dma_wait3A_485 = tpu.memref_slice %arg9[%dma_wait3A_479, %dma_wait3A_484] : memref<2x128xi32, #tpu.memory_space<vmem>> -> memref<1x128xi32, #tpu.memory_space<vmem>>
    %dma_wait3A_486 = tpu.memref_squeeze %dma_wait3A_485 : memref<1x128xi32, #tpu.memory_space<vmem>> -> memref<128xi32, #tpu.memory_space<vmem>>
    %dma_wait3A_487 = arith.constant 0 : i32
    %dma_wait3A_488 = arith.constant 0 : i32
    %dma_wait3A_489 = tpu.memref_slice %arg11[%dma_wait3A_487, %dma_wait3A_488] : memref<5248x128xf32, #tpu.memory_space<vmem_shared>> -> memref<5248x128xf32, #tpu.memory_space<vmem_shared>>
    tpu.wait_indirect_dma semaphore(%arg15 : memref<!tpu.dma_semaphore, #tpu.memory_space<semaphore_mem>>) src(%dma_wait3A_483 : memref<128x128xf32, #tpu.memory_space<vmem>>) dst(%dma_wait3A_489 : memref<5248x128xf32, #tpu.memory_space<vmem_shared>>)
    %barrier3A_490 = arith.constant 0 : index
    tpu.barrier barrier_id(%barrier3A_490)
    %mul3A_491 = arith.constant 320 : i32
    %mul3A_492 = arith.muli %arg1, %mul3A_491 : i32
    %mul3A_493 = arith.constant 320 : i32
    %mul3A_494 = arith.muli %arg1, %mul3A_493 : i32
    "tpu.region"() ({
      %run_scoped3A = tpu.sem_alloc : memref<!tpu.dma_semaphore, #tpu.memory_space<semaphore_mem>>
      %dma_start3A_495 = arith.constant 0 : i32
      %dma_start3A_496 = tpu.memref_slice %arg5[%arg0, %mul3A_494, %dma_start3A_495] : memref<2x5120x128xf32, #tpu.memory_space<hbm>> -> memref<1x320x128xf32, #tpu.memory_space<hbm>>
      %dma_start3A_497 = tpu.memref_squeeze %dma_start3A_496 : memref<1x320x128xf32, #tpu.memory_space<hbm>> -> memref<320x128xf32, #tpu.memory_space<hbm>>
      %dma_start3A_498 = arith.constant 0 : i32
      %dma_start3A_499 = tpu.memref_slice %arg11[%mul3A_492, %dma_start3A_498] : memref<5248x128xf32, #tpu.memory_space<vmem_shared>> -> memref<320x128xf32, #tpu.memory_space<vmem_shared>>
      tpu.enqueue_dma source(%dma_start3A_499 : memref<320x128xf32, #tpu.memory_space<vmem_shared>>) target(%dma_start3A_497 : memref<320x128xf32, #tpu.memory_space<hbm>>) target_semaphore(%run_scoped3A : memref<!tpu.dma_semaphore, #tpu.memory_space<semaphore_mem>>)
      %dma_wait3A_500 = arith.constant 0 : i32
      %dma_wait3A_501 = tpu.memref_slice %arg5[%arg0, %mul3A_494, %dma_wait3A_500] : memref<2x5120x128xf32, #tpu.memory_space<hbm>> -> memref<1x320x128xf32, #tpu.memory_space<hbm>>
      %dma_wait3A_502 = tpu.memref_squeeze %dma_wait3A_501 : memref<1x320x128xf32, #tpu.memory_space<hbm>> -> memref<320x128xf32, #tpu.memory_space<hbm>>
      %dma_wait3A_503 = arith.constant 0 : i32
      %dma_wait3A_504 = tpu.memref_slice %arg11[%mul3A_492, %dma_wait3A_503] : memref<5248x128xf32, #tpu.memory_space<vmem_shared>> -> memref<320x128xf32, #tpu.memory_space<vmem_shared>>
      tpu.wait_dma2 semaphore(%run_scoped3A : memref<!tpu.dma_semaphore, #tpu.memory_space<semaphore_mem>>) src(%dma_wait3A_504 : memref<320x128xf32, #tpu.memory_space<vmem_shared>>) dst(%dma_wait3A_502 : memref<320x128xf32, #tpu.memory_space<hbm>>)
      tpu.yield
    }) : () -> ()
    return
  }
}

module attributes {stable_mosaic.version = 14 : i64} {
  func.func @_pack_body(%arg0: memref<2500x128xi32, #tpu.memory_space<vmem>>, %arg1: memref<2500x128xi32, #tpu.memory_space<vmem>>, %arg2: memref<2500x128xi32, #tpu.memory_space<vmem>>, %arg3: memref<2500x128xi32, #tpu.memory_space<vmem>>) attributes {dimension_semantics = [], scalar_prefetch = 0 : i64, scratch_operands = 0 : i64, tpu.core_type = #tpu.core_type<tc>} {
    %get3A = arith.constant 0 : index
    %get3A_0 = arith.constant 0 : index
    %get3A_1 = vector.load %arg1[%get3A, %get3A_0] : memref<2500x128xi32, #tpu.memory_space<vmem>>, vector<2500x128xi32>
    %mul3A = arith.constant 10000 : i32
    %mul3A_2 = vector.broadcast %mul3A : i32 to vector<2500x128xi32>
    %mul3A_3 = arith.muli %get3A_1, %mul3A_2 : vector<2500x128xi32>
    %get3A_4 = arith.constant 0 : index
    %get3A_5 = arith.constant 0 : index
    %get3A_6 = vector.load %arg0[%get3A_4, %get3A_5] : memref<2500x128xi32, #tpu.memory_space<vmem>>, vector<2500x128xi32>
    %add3A = arith.addi %mul3A_3, %get3A_6 : vector<2500x128xi32>
    %mul3A_7 = arith.constant 16384 : i32
    %mul3A_8 = vector.broadcast %mul3A_7 : i32 to vector<2500x128xi32>
    %mul3A_9 = arith.muli %add3A, %mul3A_8 : vector<2500x128xi32>
    %get3A_10 = arith.constant 0 : index
    %get3A_11 = arith.constant 0 : index
    %get3A_12 = vector.load %arg2[%get3A_10, %get3A_11] : memref<2500x128xi32, #tpu.memory_space<vmem>>, vector<2500x128xi32>
    %add3A_13 = arith.addi %mul3A_9, %get3A_12 : vector<2500x128xi32>
    %swap3A = arith.constant 0 : index
    %swap3A_14 = arith.constant 0 : index
    %swap3A_15 = vector.load %arg3[%swap3A, %swap3A_14] : memref<2500x128xi32, #tpu.memory_space<vmem>>, vector<2500x128xi32>
    tpu.vector_store %arg3[%swap3A, %swap3A_14], %add3A_13 {strides = array<i32>} : memref<2500x128xi32, #tpu.memory_space<vmem>>, vector<2500x128xi32>,
    return
  }
}

module attributes {stable_mosaic.version = 14 : i64} {
  func.func @_hs_body(%arg0: i32, %arg1: i32, %arg2: memref<3x2xf32, #tpu.memory_space<smem>>, %arg3: memref<1000x128xf32, #tpu.memory_space<vmem>>, %arg4: memref<2x128x128xf32, #tpu.memory_space<vmem>>, %arg5: memref<1000x128xf32, #tpu.memory_space<vmem>>) attributes {dimension_semantics = [#tpu.dimension_semantics<arbitrary>, #tpu.dimension_semantics<arbitrary>], iteration_bounds = array<i64: 3, 10>, scalar_prefetch = 0 : i64, scratch_operands = 0 : i64, tpu.core_type = #tpu.core_type<tc>, window_params = [{transform_indices = @transform_0, window_bounds = array<i64: 3, 2>}, {transform_indices = @transform_1, window_bounds = array<i64: 1000, 128>}, {pipeline_mode = #tpu.pipeline_mode<synchronous>, transform_indices = @transform_2, window_bounds = array<i64: 2, 128, 128>}, {transform_indices = @transform_3, window_bounds = array<i64: 1000, 128>}]} {
    %get3A = arith.index_cast %arg0 : i32 to index
    %get3A_0 = arith.constant 0 : index
    %get3A_1 = memref.load %arg2[%get3A, %get3A_0] : memref<3x2xf32, #tpu.memory_space<smem>>
    %get3A_2 = arith.constant 0 : index
    %get3A_3 = arith.constant 0 : index
    %get3A_4 = arith.constant 0 : index
    %get3A_5 = vector.load %arg4[%get3A_2, %get3A_3, %get3A_4] : memref<2x128x128xf32, #tpu.memory_space<vmem>>, vector<1x128x128xf32>
    %get3A_6 = vector.shape_cast %get3A_5 : vector<1x128x128xf32> to vector<128x128xf32>
    %mul3A = vector.broadcast %get3A_1 : f32 to vector<128x128xf32>
    %mul3A_7 = arith.mulf %mul3A, %get3A_6 : vector<128x128xf32>
    %get3A_8 = arith.index_cast %arg0 : i32 to index
    %get3A_9 = arith.constant 1 : index
    %get3A_10 = memref.load %arg2[%get3A_8, %get3A_9] : memref<3x2xf32, #tpu.memory_space<smem>>
    %get3A_11 = arith.constant 1 : index
    %get3A_12 = arith.constant 0 : index
    %get3A_13 = arith.constant 0 : index
    %get3A_14 = vector.load %arg4[%get3A_11, %get3A_12, %get3A_13] : memref<2x128x128xf32, #tpu.memory_space<vmem>>, vector<1x128x128xf32>
    %get3A_15 = vector.shape_cast %get3A_14 : vector<1x128x128xf32> to vector<128x128xf32>
    %mul3A_16 = vector.broadcast %get3A_10 : f32 to vector<128x128xf32>
    %mul3A_17 = arith.mulf %mul3A_16, %get3A_15 : vector<128x128xf32>
    %add3A = arith.addf %mul3A_7, %mul3A_17 : vector<128x128xf32>
    %get3A_18 = arith.constant 0 : index
    %get3A_19 = arith.constant 0 : index
    %get3A_20 = vector.load %arg3[%get3A_18, %get3A_19] : memref<1000x128xf32, #tpu.memory_space<vmem>>, vector<1000x128xf32>
    %dot_general3A = arith.constant dense<0.000000e+00> : vector<1000x128xf32>
    %dot_general3A_21 = tpu.matmul %get3A_20, %add3A, %dot_general3A {dimension_numbers = #tpu.dot_dimension_numbers<[1], [0], [0], [1], [0, 0, 1, 1], [], []>, transpose_lhs_hint = false} : vector<1000x128xf32>, vector<128x128xf32>, vector<1000x128xf32> -> vector<1000x128xf32>
    %swap3A = arith.constant 0 : index
    %swap3A_22 = arith.constant 0 : index
    %swap3A_23 = vector.load %arg5[%swap3A, %swap3A_22] : memref<1000x128xf32, #tpu.memory_space<vmem>>, vector<1000x128xf32>
    tpu.vector_store %arg5[%swap3A, %swap3A_22], %dot_general3A_21 {strides = array<i32>} : memref<1000x128xf32, #tpu.memory_space<vmem>>, vector<1000x128xf32>,
    return
  }
  func.func @transform_0(%arg0: i32, %arg1: i32) -> (i32, i32) {
    %c0_i32 = arith.constant 0 : i32
    %c0_i32_0 = arith.constant 0 : i32
    %c0_i32_1 = arith.constant 0 : i32
    return %c0_i32, %c0_i32_0 : i32, i32
  }
  func.func @transform_1(%arg0: i32, %arg1: i32) -> (i32, i32) {
    %c0_i32 = arith.constant 0 : i32
    %c0_i32_0 = arith.constant 0 : i32
    return %arg1, %c0_i32 : i32, i32
  }
  func.func @transform_2(%arg0: i32, %arg1: i32) -> (i32, i32, i32) {
    %c0_i32 = arith.constant 0 : i32
    %c0_i32_0 = arith.constant 0 : i32
    %c0_i32_1 = arith.constant 0 : i32
    %c0_i32_2 = arith.constant 0 : i32
    return %c0_i32, %c0_i32_0, %c0_i32_1 : i32, i32, i32
  }
  func.func @transform_3(%arg0: i32, %arg1: i32) -> (i32, i32) {
    %mul3A = arith.constant 10 : i32
    %mul3A_0 = arith.muli %arg0, %mul3A : i32
    %add3A = arith.addi %mul3A_0, %arg1 : i32
    %c0_i32 = arith.constant 0 : i32
    %c0_i32_1 = arith.constant 0 : i32
    return %add3A, %c0_i32 : i32, i32
  }
}

</mosaic_0001>

<sc_bundles>
// kernel: kernel.5.cloned.1.call-start
scs
__scs_entry_jumppad:
0x0: {  	(pc) =	sbr.rel $0x88, $3  }
0x1: {  	(tag) =	ssettag $0x0;
	lr =	simm.s32 $0x1  }
0x2: {  	[smem:$0x3F9B] =	sst lr;
	_ =	strace $0xD0000000  }
0x3: {  	_ = 	snop  }
0x4: {  	_ = 	snop  }
0x5: {  	_ = 	snop  }
0x6: {  	_ = 	snop  }
0x7: {  	_ = 	snop  }
__scs_overlays_trampoline_lowered:
0x8: {  	[smem:$0x3FAA] =	sst s0  }
0x9: {  	[smem:$0x3FAB] =	sst s1  }
0xa: {  	[smem:$0x3FAC] =	sst s2  }
0xb: {  	[smem:$0x3FAD] =	sst s3  }
0xc: {  	[smem:$0x3FAE] =	sst s4  }
0xd: {  	[smem:$0x3FAF] =	sst s5  }
0xe: {  	[smem:$0x3FB0] =	sst s6  }
0xf: {  	[smem:$0x3FB1] =	sst s7  }
0x10: {  	[smem:$0x3FB2] =	sst s8  }
0x11: {  	[smem:$0x3FB3] =	sst s9;
	s0 =	simm.s32 @!p0 $0x0  }
0x12: {  	s1 =	sld [smem:$0x3F99];
	s0 =	simm.s32 @p0 $0x1  }
0x13: {  	[smem:$0x3FB4] =	sst s0;
	s0 =	simm.s32 @!p1 $0x0  }
0x14: {  	s2 =	sld [smem:$0x3F98];
	s0 =	simm.s32 @p1 $0x1  }
0x15: {  	[smem:$0x3FB5] =	sst s0;
	s0 =	simm.s32 @!p2 $0x0  }
0x16: {  	s3 =	sld [smem:$0x3FDB];
	s0 =	simm.s32 @p2 $0x1  }
0x17: {  	s4 =	simm.s32 $0x1BF5;
	[smem:$0x3FB7] =	sst s0  }
0x18: {  	s0 =	sld [smem:$0x3F9A];
	_ =	swait.ge [sflag:s4], $0x0  }
0x19: {  	s7 =	sld [smem:$0x3F9B]  }
0x1a: {  	s8 =	sadd.s32 $0xFFFFE003, lr  }
0x1b: {  	s9 =	sadd.s32 $0xFFFFFEF7, lr;
	s5 =	simm.s32 $0xFFFFFFFF;
	p2 =	slt.u32 s8, $0xFFFFF086  }
0x1c: {  	p1 =	slt.u32 s9, $0xF7A;
	s5 =	simm.s32 @!p2 $0x0  }
0x1d: {  	s5 =	simm.s32 @p1 $0x1;
	p0 =	seq.s32 s7, s2  }
0x1e: {  	s7 =	smul.u32 @!p0 $0xF7A, s2;
	p2 =	seq.s32 @!p0 s5, $0x0  }
0x1f: {  	s9 =	smul.u32 $0xF7A, s1;
	s8 =	simm.s32 @!p0 $0x1BF5;
	p2 =	por !p2, p0  }
0x20: {  	[sflag:s8] =	ssyncset.s32 @!p0 $0xFFFFF086;
	s6 =	sadd.s32 @!p0 s3, s7;
	s7 =	simm.s32 @!p0 $0x108  }
0x21: {  	s3 =	sadd.s32 s3, s9;
	s6 =	sadd.s32 @!p0 $0x88, s6;
	s7 =	simm.s32 @p2 $0x1082  }
0x22: {  	[simem:s7], [sflag:s8] =	dma.local @!p0 [hbm:s6], $0xF7A  }
0x23: {  	s9 =	sor.u32 $0xD0000000, s2;
	s6 =	simm.s32 $0x108;
	_ =	swait.ge @!p0 [sflag:s8], $0x0  }
0x24: {  	s3 =	sadd.s32 $0x88, s3;
	s6 =	simm.s32 @!p1 $0x1082;
	[sflag:s4] =	ssyncset.s32 $0xFFFFF086  }
0x25: {  	[simem:s6], [sflag:s4] =	dma.local [hbm:s3], $0xF7A  }
0x26: {  	[smem:$0x3F9B] =	sst s1;
	(tag) =	ssettag s2;
	_ =	strace s9  }
0x27: {  	s1 =	sld [smem:$0x3FAB]  }
0x28: {  	s2 =	sld [smem:$0x3FAC]  }
0x29: {  	s4 =	sld [smem:$0x3FAE]  }
0x2a: {  	p0 =	seq.s32 s5, $0x0;
	s5 =	sld [smem:$0x3FAF]  }
0x2b: {  	s6 =	sld [smem:$0x3FB0]  }
0x2c: {  	s7 =	sld [smem:$0x3FB1]  }
0x2d: {  	s3 =	simm.s32 $0x108;
	s8 =	sld [smem:$0x3FB2]  }
0x2e: {  	s3 =	simm.s32 @!p0 $0x1082;
	s9 =	sld [smem:$0x3FB3]  }
0x2f: {  	lr =	sadd.s32 s0, s3;
	s0 =	sld [smem:$0x3FAA]  }
0x30: {  	s3 =	sld [smem:$0x3FAD]  }
0x31: {  	[smem:$0x3FB6] =	sst s10  }
0x32: {  	s10 =	sld [smem:$0x3FB4];
	_ =	sdelay $0x3  }
0x33: {  	p0 =	seq.s32 s10, $0x1;
	s10 =	sld [smem:$0x3FB6];
	_ =	sdelay $0x3  }
0x34: {  	[smem:$0x3FB6] =	sst s10  }
0x35: {  	s10 =	sld [smem:$0x3FB5];
	_ =	sdelay $0x3  }
0x36: {  	p1 =	seq.s32 s10, $0x1;
	s10 =	sld [smem:$0x3FB6];
	_ =	sdelay $0x3  }
0x37: {  	[smem:$0x3FB6] =	sst s10  }
0x38: {  	s10 =	sld [smem:$0x3FB7]  }
0x39: {  	_ = 	snop;
	(pc) =	sbr.ind lr, $3  }
0x3a: {  	_ = 	snop  }
0x3b: {  	_ = 	snop  }
0x3c: {  	p2 =	seq.s32 s10, $0x1;
	s10 =	sld [smem:$0x3FB6]  }
0x3d: {  	_ =	shalt  }
0x3e: {  	_ =	shalt  }
0x3f: {  	_ =	shalt  }
0x40: {  	_ =	shalt  }
0x41: {  	_ =	shalt  }
0x42: {  	_ =	shalt  }
0x43: {  	_ =	shalt  }
0x44: {  	_ =	shalt  }
0x45: {  	_ =	shalt  }
0x46: {  	_ =	shalt  }
0x47: {  	_ =	shalt  }
0x48: {  	_ =	shalt  }
0x49: {  	_ =	shalt  }
0x4a: {  	_ =	shalt  }
0x4b: {  	_ =	shalt  }
0x4c: {  	_ =	shalt  }
0x4d: {  	_ =	shalt  }
0x4e: {  	_ =	shalt  }
0x4f: {  	_ =	shalt  }
0x50: {  	_ =	shalt  }
0x51: {  	_ =	shalt  }
0x52: {  	_ =	shalt  }
0x53: {  	_ =	shalt  }
0x54: {  	_ =	shalt  }
0x55: {  	_ =	shalt  }
0x56: {  	_ =	shalt  }
0x57: {  	_ =	shalt  }
0x58: {  	_ =	shalt  }
0x59: {  	_ =	shalt  }
0x5a: {  	_ =	shalt  }
0x5b: {  	_ =	shalt  }
0x5c: {  	_ =	shalt  }
0x5d: {  	_ =	shalt  }
0x5e: {  	_ =	shalt  }
0x5f: {  	_ =	shalt  }
0x60: {  	_ =	shalt  }
0x61: {  	_ =	shalt  }
0x62: {  	_ =	shalt  }
0x63: {  	_ =	shalt  }
0x64: {  	_ =	shalt  }
0x65: {  	_ =	shalt  }
0x66: {  	_ =	shalt  }
0x67: {  	_ =	shalt  }
0x68: {  	_ =	shalt  }
0x69: {  	_ =	shalt  }
0x6a: {  	_ =	shalt  }
0x6b: {  	_ =	shalt  }
0x6c: {  	_ =	shalt  }
0x6d: {  	_ =	shalt  }
0x6e: {  	_ =	shalt  }
0x6f: {  	_ =	shalt  }
0x70: {  	_ =	shalt  }
0x71: {  	_ =	shalt  }
0x72: {  	_ =	shalt  }
0x73: {  	_ =	shalt  }
0x74: {  	_ =	shalt  }
0x75: {  	_ =	shalt  }
0x76: {  	_ =	shalt  }
0x77: {  	_ =	shalt  }
0x78: {  	_ =	shalt  }
0x79: {  	_ =	shalt  }
0x7a: {  	_ =	shalt  }
0x7b: {  	_ =	shalt  }
0x7c: {  	_ =	shalt  }
0x7d: {  	_ =	shalt  }
0x7e: {  	_ =	shalt  }
0x7f: {  	_ =	shalt  }
0x80: {  	_ =	shalt  }
0x81: {  	_ =	shalt  }
0x82: {  	_ =	shalt  }
0x83: {  	_ =	shalt  }
0x84: {  	_ =	shalt  }
0x85: {  	_ =	shalt  }
0x86: {  	_ =	shalt  }
0x87: {  	_ =	shalt  }
.Lfunc_end0:
.L_simem_size_0:
called_computation_lowered:
.L_overlay_start_0:
0x88: {  	s2 =	sld [smem:$0x3FD9]  }
0x89: {  	s3 =	sld [smem:$0x3FFE];
	_ =	sdelay $0x1  }
0x8a: {  	s1 =	srdreg.scid  }
0x8b: {  	s0 =	sand.u32 $0x1, s1  }
0x8c: {  	s17 =	sshll.u32 s0, $0xA;
	s2 =	sadd.s32 s3, s2  }
0x8d: {  	s2 =	sadd.s32 s2, s17  }
0x8e: {  	[smem:$0x3FC2] =	sst s2  }
0x8f: {  	_ = 	snop  }
0x90: {  	s2 =	sld [smem:$0x3FD0];
	(tm) =	ssettm $0x1  }
0x91: {  	s18 =	sld [smem:$0x3FFB];
	_ =	sdelay $0x3  }
0x92: {  	_ =	strace s18  }
0x93: {  	s3 =	sld [smem:$0x3FFC];
	_ =	sdelay $0x3  }
0x94: {  	_ =	strace s3  }
0x95: {  	s3 =	sld [smem:$0x3FFD];
	_ =	sdelay $0x3  }
0x96: {  	_ =	strace s3  }
0x97: {  	_ =	strace $0x8FFFFFFF  }
0x98: {  	s19 =	sld [smem:$0x3FDB];
	_ =	sdelay $0x1  }
0x99: {  	s4 =	simm.s32 $_scs_section_size  }
0x9a: {  	s5 =	simm.s32 $_size__tile_overlayer_lowered;
	s6 =	simm.s32 $_tile_overlayer_lowered  }
0x9b: {  	s22 =	simm.s32 $0x1BFF;
	s21 =	sshll.u32 s6, $0x1;
	s3 =	sadd.s32 s4, s19  }
0x9c: {  	s7 =	simm.s32 $0x0;
	s20 =	sshll.u32 s5, $0x1;
	s5 =	sadd.s32 s21, s3  }
0x9d: {  	[timem:s7], [sflag:s22] =	dma.local [hbm:s5], s20  }
0x9e: {  	_ =	swait.ge [sflag:s22], s20  }
0x9f: {  	s4 =	ssub.s32 $0x0, s20;
	[sflag:s22] =	ssyncset.done $0x0  }
0xa0: {  	[sflag:s22] =	ssyncadd.s32 s4;
	_ =	sdelay $0x1  }
0xa1: {  	s23 =	simm.s32 $0x1B8B  }
0xa2: {  	_ =	swait.ge [sflag:s23], $0x1  }
0xa3: {  	[sflag:s23] =	ssyncset.done $0x0  }
0xa4: {  	s25 =	simm.s32 $0x1B8E;
	s24 =	sld [smem:$0x3FFE];
	[sflag:s23] =	ssyncadd.s32 $0xFFFFFFFF  }
0xa5: {  	s26 =	simm.s32 $execute0_lowered;
	[smem:$0x3FD2] =	sst s25  }
0xa6: {  	s5 =	sshll.u32 s26, $0x1;
	_ =	strace $0x80000046;
	[dreg:$0x1] =	wrdreg $0xFFFFFFFF  }
0xa7: {  	s28 =	simm.s32 $_size_execute0_lowered;
	s3 =	sadd.s32 s3, s5;
	[dreg:$0x0] =	wrdreg $0x0  }
0xa8: {  	s5 =	sshll.u32 s28, $0x1;
	[dreg:$0x2] =	wrdreg s3  }
0xa9: {  	[dreg:$0x3] =	wrdreg s5  }
0xaa: {  	[dreg:$0x4] =	wrdreg $0xC0  }
0xab: {  	_ =	task [dreg:s7], $0x5FFFF  }
0xac: {  	[dreg:$0x1] =	wrdreg $0xFFFFFFFF  }
0xad: {  	[dreg:$0x0] =	wrdreg $0x60  }
0xae: {  	[dreg:$0x2] =	wrdreg s24  }
0xaf: {  	[dreg:$0x3] =	wrdreg s2  }
0xb0: {  	[dreg:$0x4] =	wrdreg $0x126280  }
0xb1: {  	[dreg:$0x5] =	wrdreg $0x9  }
0xb2: {  	_ =	task.clear_ibuf [dreg:s7], $0x6FFFF;
	_ =	strace $0x90000046  }
0xb3: {  	s29 =	simm.s32 $0x9;
	_ =	strace $0x80000048  }
0xb4: {  	_ =	swait.ge [sflag:s29], $0x1  }
0xb5: {  	[sflag:s29] =	ssyncadd.s32 $0xFFFFFFFF  }
0xb6: {  	_ =	strace $0x90000048  }
0xb7: {  	_ =	sfence  }
0xb8: {  	s30 =	sld [smem:$0x0];
	_ =	sdelay $0x2  }
0xb9: {  	s31 =	sshll.u32 s1, $0xD;
	s1 =	sshrl.u32 s1, $0x2  }
0xba: {  	s3 =	sand.u32 $0x4000, s31;
	s1 =	sadd.s32 s1, s30  }
0xbb: {  	s0 =	sor.u32 s3, s0;
	s1 =	sshll.u32 s1, $0x11  }
0xbc: {  	s0 =	sor.u32 s1, s0  }
0xbd: {  	s0 =	sadd.s32 $0x8F2B, s0  }
0xbe: {  	[sflag:s0] =	ssyncadd.remote.s32 $0x1  }
0xbf: {  	_ =	sfence.sel $0xFFFF  }
0xc0: {  	[dreg:$0x0] =	wrdreg $0xFFFFFFFF;
	(pc) =	sbr.abs _section_cstart, $3  }
0xc1: {  	[dreg:$0x1] =	wrdreg $0xFFFFFFFF  }
0xc2: {  	_ =	task.clear_ibuf [dreg:s7], $0x2FFFF;
	_ =	strace $0x9FFFFFFF  }
0xc3: {  	(tm) =	ssettm $0x7FFFFFFF  }
tec
execute0_lowered:
.L_overlay_start_1:
0x0: {  	(tag) =	ssettag $0x1  }
0x1: {  	s5 =	rddreg [dreg:$0x0]  }
0x2: {  	s6 =	rddreg [dreg:$0x1]  }
0x3: {  	s1 =	rddreg [dreg:$0x2]  }
0x4: {  	s2 =	srdreg.scid;
	s28 =	simm.s32 $0x0;
	s0 =	stileid.u32  }
0x5: {  	s14 =	simm.s32 $0xA428;
	s15 =	simm.s32 $0xA628;
	s16 =	simm.s32 $0xA4A8  }
0x6: {  	s17 =	simm.s32 $0xE628;
	s18 =	simm.s32 $0xA528;
	s19 =	simm.s32 $0x2  }
0x7: {  	s20 =	simm.s32 $0x3;
	s21 =	simm.s32 $0xA5A8;
	s9 =	smul.u32 $0xA000, s0  }
0x8: {  	s7 =	sand.u32 $0x1, s2;
	[smem:$0x7FF] =	sst s28;
	s10 =	smul.u32 $0xA00, s0  }
0x9: {  	s4 =	sadd.s32 $0xAC00, s5;
	s12 =	smul.u32 $0xA400, s0;
	s31 =	sshll.u32 s0, $0x6  }
0xa: {  	s8 =	smul.u32 $0xA0000, s7;
	_ =	strace $0x80000047;
	s11 =	ssub.s32 $0x2, s7  }
0xb: {  	s22 =	smul.u32 $0x1400, s7;
	s10 =	sadd.s32 s10, s5;
	s29 =	sshrl.u32 s11, $0x1  }
0xc: {  	s13 =	sshrl.u32 s12, $0x3;
	s12 =	sadd.s32 s12, s1;
	s24 =	sadd.s32 s9, s1  }
0xd: {  	s8 =	sadd.s32 s9, s8;
	s11 =	ssub.s32 s11, s29;
	s30 =	sadd.s32 $0xC00, s10  }
0xe: {  	s6 =	sadd.s32 s6, s13;
	s23 =	sadd.s32 $0x1400, s22;
	s9 =	simm.s32 $0x5  }
0xf: {  	s10 =	sor.u32 $0x1C05, s31;
	s13 =	simm.s32 $0x80;
	s8 =	sshrl.u32 s8, $0x3  }
0x10: {  	v0 =	vmov s22;
	s22 =	simm.s32 $0x4;
	[dreg:$0x4] =	wrdreg s30;
	s8 =	sadd.s32 s8, s5  }
0x11: {  	v1 =	vmov s23;
	s23 =	sshrl.u32 s24, $0x3;
	s24 =	simm.s32 $0x0;
	s7 =	sadd.s32 $0x80000, s8  }
0x12: {  	s8 =	smax.u32 s11, $0x1;
	s11 =	sshrl.u32 s12, $0x3;
	s12 =	simm.s32 $0x1  }
.LBB2_1:
0x13: {  	s0 =	simm.s32 $0x0;
	s2 =	rddreg [dreg:$0x4]  }
0x14: {  	[tilespmem:s0], [sflag:$0x5] =	stream.linear.gather [hbm4b:s2+s0], $0x5000, $0x38;
	[tilespmem:$0x1CA28] =	vst v63  }
0x15: {  	_ =	swait.ge [sflag:s9], $0x5000  }
0x16: {  	[sflag:s9] =	ssyncset.done $0x0  }
0x17: {  	[sflag:s9] =	ssyncadd.s32 $0xFFFFB000  }
0x18: {  	[spmem:s11], [sflag:s10] =	dma.local [hbm:s6], $0x1480  }
0x19: {  	_ =	swait.ge [sflag:s9], $0x1480  }
0x1a: {  	[sflag:s9] =	ssyncset.done $0x0  }
0x1b: {  	[sflag:s9] =	ssyncadd.s32 $0xFFFFEB80  }
0x1c: {  	s25 =	simm.s32 $0x0;
	[bflag:$0x0] =	sbarrier.arrive $0xFFFF  }
0x1d: {  	v2 =	vld [tilespmem:s25+$0x0];
	_ =	sdelay $0x4  }
0x1e: {  	v3 =	vand.u32 $0x3FFF, v2  }
0x1f: {  	vm0 =	vge.u32 v3, v0;
	vm1 =	vlt.u32 v3, v1  }
0x20: {  	vm0 =	vmand vm0, vm1  }
0x21: {  	[tilespmem:s0+$0x5000] =	vst.msk vm0, v2;
	v2 =	vmpcnt.ones.xlane vm0  }
0x22: {  	v3 =	vld [tilespmem:s25+$0x10]  }
0x23: {  	(v2sf) =	vpush v2, $0x0;
	_ =	sdelay $0x3  }
0x24: {  	v2 =	vand.u32 $0x3FFF, v3  }
0x25: {  	vm0 =	vge.u32 v2, v0;
	vm1 =	vlt.u32 v2, v1  }
0x26: {  	vm0 =	vmand vm0, vm1  }
0x27: {  	v2 =	vmpcnt.ones.xlane vm0;
	_ =	sdelay $0x1  }
0x28: {  	(v2sf) =	vpush v2, $0x0;
	_ =	sdelay $0x5  }
0x29: {  	s26 =	spop (v2sf)  }
0x2a: {  	s26 =	sadd.s32 $0x0, s26  }
0x2b: {  	[tilespmem:s26+$0x5000] =	vst.msk vm0, v3  }
0x2c: {  	v2 =	vld [tilespmem:s25+$0x20];
	_ =	sdelay $0x4  }
0x2d: {  	v3 =	vand.u32 $0x3FFF, v2  }
0x2e: {  	vm0 =	vge.u32 v3, v0;
	vm1 =	vlt.u32 v3, v1;
	s28 =	spop (v2sf)  }
0x2f: {  	s26 =	sadd.s32 s26, s28;
	vm0 =	vmand vm0, vm1  }
0x30: {  	[tilespmem:s26+$0x5000] =	vst.msk vm0, v2;
	v2 =	vmpcnt.ones.xlane vm0  }
0x31: {  	v3 =	vld [tilespmem:s25+$0x30]  }
0x32: {  	(v2sf) =	vpush v2, $0x0;
	_ =	sdelay $0x3  }
0x33: {  	v2 =	vand.u32 $0x3FFF, v3  }
0x34: {  	vm0 =	vge.u32 v2, v0;
	vm1 =	vlt.u32 v2, v1  }
0x35: {  	vm0 =	vmand vm0, vm1  }
0x36: {  	v2 =	vmpcnt.ones.xlane vm0;
	_ =	sdelay $0x1  }
0x37: {  	(v2sf) =	vpush v2, $0x0;
	_ =	sdelay $0x5  }
0x38: {  	s28 =	spop (v2sf)  }
0x39: {  	s26 =	sadd.s32 s26, s28  }
0x3a: {  	[tilespmem:s26+$0x5000] =	vst.msk vm0, v3  }
0x3b: {  	v2 =	vld [tilespmem:s25+$0x40];
	_ =	sdelay $0x4  }
0x3c: {  	v3 =	vand.u32 $0x3FFF, v2  }
0x3d: {  	vm0 =	vge.u32 v3, v0;
	vm1 =	vlt.u32 v3, v1;
	s28 =	spop (v2sf)  }
0x3e: {  	s26 =	sadd.s32 s26, s28;
	vm0 =	vmand vm0, vm1  }
0x3f: {  	[tilespmem:s26+$0x5000] =	vst.msk vm0, v2;
	v2 =	vmpcnt.ones.xlane vm0  }
0x40: {  	v3 =	vld [tilespmem:s25+$0x50]  }
0x41: {  	(v2sf) =	vpush v2, $0x0;
	_ =	sdelay $0x3  }
0x42: {  	v2 =	vand.u32 $0x3FFF, v3  }
0x43: {  	vm0 =	vge.u32 v2, v0;
	vm1 =	vlt.u32 v2, v1  }
0x44: {  	vm0 =	vmand vm0, vm1  }
0x45: {  	v2 =	vmpcnt.ones.xlane vm0;
	_ =	sdelay $0x1  }
0x46: {  	(v2sf) =	vpush v2, $0x0;
	_ =	sdelay $0x5  }
0x47: {  	s28 =	spop (v2sf)  }
0x48: {  	s26 =	sadd.s32 s26, s28  }
0x49: {  	[tilespmem:s26+$0x5000] =	vst.msk vm0, v3  }
0x4a: {  	v2 =	vld [tilespmem:s25+$0x60];
	_ =	sdelay $0x4  }
0x4b: {  	v3 =	vand.u32 $0x3FFF, v2  }
0x4c: {  	vm0 =	vge.u32 v3, v0;
	vm1 =	vlt.u32 v3, v1;
	s28 =	spop (v2sf)  }
0x4d: {  	s26 =	sadd.s32 s26, s28;
	vm0 =	vmand vm0, vm1  }
0x4e: {  	[tilespmem:s26+$0x5000] =	vst.msk vm0, v2;
	v2 =	vmpcnt.ones.xlane vm0  }
0x4f: {  	v3 =	vld [tilespmem:s25+$0x70]  }
0x50: {  	(v2sf) =	vpush v2, $0x0;
	_ =	sdelay $0x3  }
0x51: {  	v2 =	vand.u32 $0x3FFF, v3  }
0x52: {  	vm0 =	vge.u32 v2, v0;
	vm1 =	vlt.u32 v2, v1  }
0x53: {  	vm0 =	vmand vm0, vm1  }
0x54: {  	v2 =	vmpcnt.ones.xlane vm0;
	_ =	sdelay $0x1  }
0x55: {  	(v2sf) =	vpush v2, $0x0;
	_ =	sdelay $0x5  }
0x56: {  	s31 =	spop (v2sf)  }
0x57: {  	s29 =	sadd.s32 s26, s31  }
0x58: {  	s25 =	simm.s32 $0x80;
	[tilespmem:s29+$0x5000] =	vst.msk vm0, v3  }
0x59: {  	v2 =	vld [tilespmem:s25+$0x0];
	_ =	sdelay $0x4  }
0x5a: {  	v3 =	vand.u32 $0x3FFF, v2  }
0x5b: {  	s26 =	simm.s32 $0x400;
	vm0 =	vge.u32 v3, v0;
	vm1 =	vlt.u32 v3, v1;
	s28 =	spop (v2sf)  }
.LBB2_2:
0x5c: {  	p0 =	sne.s32 s26, $0x13E00  }
0x5d: {  	vm0 =	vmand vm0, vm1;
	s29 =	sadd.s32 s29, s28;
	s28 =	smov.u32 s26;
	s26 =	sadd.s32 $0x200, s26  }
0x5e: {  	[tilespmem:s29+$0x5000] =	vst.msk vm0, v2;
	v2 =	vmpcnt.ones.xlane vm0  }
0x5f: {  	v3 =	vld [tilespmem:s25+$0x10]  }
0x60: {  	(v2sf) =	vpush v2, $0x0;
	_ =	sdelay $0x3  }
0x61: {  	v2 =	vand.u32 $0x3FFF, v3  }
0x62: {  	vm0 =	vge.u32 v2, v0;
	vm1 =	vlt.u32 v2, v1  }
0x63: {  	vm0 =	vmand vm0, vm1  }
0x64: {  	v2 =	vmpcnt.ones.xlane vm0;
	_ =	sdelay $0x1  }
0x65: {  	(v2sf) =	vpush v2, $0x0;
	_ =	sdelay $0x5  }
0x66: {  	s30 =	spop (v2sf)  }
0x67: {  	s29 =	sadd.s32 s29, s30  }
0x68: {  	[tilespmem:s29+$0x5000] =	vst.msk vm0, v3  }
0x69: {  	v2 =	vld [tilespmem:s25+$0x20];
	_ =	sdelay $0x4  }
0x6a: {  	v3 =	vand.u32 $0x3FFF, v2  }
0x6b: {  	vm0 =	vge.u32 v3, v0;
	vm1 =	vlt.u32 v3, v1;
	s30 =	spop (v2sf)  }
0x6c: {  	s29 =	sadd.s32 s29, s30;
	vm0 =	vmand vm0, vm1  }
0x6d: {  	[tilespmem:s29+$0x5000] =	vst.msk vm0, v2;
	v2 =	vmpcnt.ones.xlane vm0  }
0x6e: {  	v3 =	vld [tilespmem:s25+$0x30]  }
0x6f: {  	(v2sf) =	vpush v2, $0x0;
	_ =	sdelay $0x3  }
0x70: {  	v2 =	vand.u32 $0x3FFF, v3  }
0x71: {  	vm0 =	vge.u32 v2, v0;
	vm1 =	vlt.u32 v2, v1  }
0x72: {  	vm0 =	vmand vm0, vm1  }
0x73: {  	v2 =	vmpcnt.ones.xlane vm0;
	_ =	sdelay $0x1  }
0x74: {  	(v2sf) =	vpush v2, $0x0;
	_ =	sdelay $0x5  }
0x75: {  	s30 =	spop (v2sf)  }
0x76: {  	s29 =	sadd.s32 s29, s30  }
0x77: {  	[tilespmem:s29+$0x5000] =	vst.msk vm0, v3  }
0x78: {  	v2 =	vld [tilespmem:s25+$0x40];
	_ =	sdelay $0x4  }
0x79: {  	v3 =	vand.u32 $0x3FFF, v2  }
0x7a: {  	vm0 =	vge.u32 v3, v0;
	vm1 =	vlt.u32 v3, v1;
	s30 =	spop (v2sf)  }
0x7b: {  	s29 =	sadd.s32 s29, s30;
	vm0 =	vmand vm0, vm1  }
0x7c: {  	[tilespmem:s29+$0x5000] =	vst.msk vm0, v2;
	v2 =	vmpcnt.ones.xlane vm0  }
0x7d: {  	v3 =	vld [tilespmem:s25+$0x50]  }
0x7e: {  	(v2sf) =	vpush v2, $0x0;
	_ =	sdelay $0x3  }
0x7f: {  	v2 =	vand.u32 $0x3FFF, v3  }
0x80: {  	vm0 =	vge.u32 v2, v0;
	vm1 =	vlt.u32 v2, v1  }
0x81: {  	vm0 =	vmand vm0, vm1  }
0x82: {  	v2 =	vmpcnt.ones.xlane vm0;
	_ =	sdelay $0x1  }
0x83: {  	(v2sf) =	vpush v2, $0x0;
	_ =	sdelay $0x5  }
0x84: {  	s30 =	spop (v2sf)  }
0x85: {  	s29 =	sadd.s32 s29, s30  }
0x86: {  	[tilespmem:s29+$0x5000] =	vst.msk vm0, v3  }
0x87: {  	v2 =	vld [tilespmem:s25+$0x60];
	_ =	sdelay $0x4  }
0x88: {  	v3 =	vand.u32 $0x3FFF, v2  }
0x89: {  	vm0 =	vge.u32 v3, v0;
	vm1 =	vlt.u32 v3, v1;
	s30 =	spop (v2sf)  }
0x8a: {  	s29 =	sadd.s32 s29, s30;
	vm0 =	vmand vm0, vm1  }
0x8b: {  	[tilespmem:s29+$0x5000] =	vst.msk vm0, v2;
	v2 =	vmpcnt.ones.xlane vm0  }
0x8c: {  	v3 =	vld [tilespmem:s25+$0x70]  }
0x8d: {  	(v2sf) =	vpush v2, $0x0;
	_ =	sdelay $0x3  }
0x8e: {  	v2 =	vand.u32 $0x3FFF, v3  }
0x8f: {  	vm0 =	vge.u32 v2, v0;
	vm1 =	vlt.u32 v2, v1  }
0x90: {  	vm0 =	vmand vm0, vm1  }
0x91: {  	v2 =	vmpcnt.ones.xlane vm0;
	_ =	sdelay $0x1  }
0x92: {  	(v2sf) =	vpush v2, $0x0;
	_ =	sdelay $0x5  }
0x93: {  	s25 =	spop (v2sf)  }
0x94: {  	s29 =	sadd.s32 s29, s25  }
0x95: {  	s25 =	sshra.s32 s28, $0x2;
	[tilespmem:s29+$0x5000] =	vst.msk vm0, v3  }
0x96: {  	v2 =	vld [tilespmem:s25+$0x0];
	_ =	sdelay $0x1  }
.Ltmp0:
0x97: {  	(pc) =	sbr.rel @p0 .LBB2_2-.Ltmp0, $3  }
0x98: {  	_ =	sdelay $0x1  }
0x99: {  	v3 =	vand.u32 $0x3FFF, v2  }
0x9a: {  	vm0 =	vge.u32 v3, v0;
	vm1 =	vlt.u32 v3, v1;
	s28 =	spop (v2sf)  }
0x9b: {  	vm0 =	vmand vm0, vm1;
	s26 =	sadd.s32 s29, s28  }
0x9c: {  	[tilespmem:s26+$0x5000] =	vst.msk vm0, v2;
	v2 =	vmpcnt.ones.xlane vm0  }
0x9d: {  	v3 =	vld [tilespmem:s25+$0x10]  }
0x9e: {  	(v2sf) =	vpush v2, $0x0;
	_ =	sdelay $0x3  }
0x9f: {  	v2 =	vand.u32 $0x3FFF, v3  }
0xa0: {  	vm14 =	vge.u32 v2, v0;
	vm15 =	vlt.u32 v2, v1  }
0xa1: {  	vm0 =	vmand vm14, vm15  }
0xa2: {  	v2 =	vmpcnt.ones.xlane vm0;
	_ =	sdelay $0x1  }
0xa3: {  	(v2sf) =	vpush v2, $0x0;
	_ =	sdelay $0x5  }
0xa4: {  	s28 =	spop (v2sf)  }
0xa5: {  	s29 =	sadd.s32 s26, s28  }
0xa6: {  	[tilespmem:s29+$0x5000] =	vst.msk vm0, v3  }
0xa7: {  	v2 =	vld [tilespmem:s25+$0x20];
	_ =	sdelay $0x4  }
0xa8: {  	v3 =	vand.u32 $0x3FFF, v2  }
0xa9: {  	vm4 =	vge.u32 v3, v0;
	vm5 =	vlt.u32 v3, v1;
	s30 =	spop (v2sf)  }
0xaa: {  	s29 =	sadd.s32 s29, s30;
	vm0 =	vmand vm4, vm5  }
0xab: {  	[tilespmem:s29+$0x5000] =	vst.msk vm0, v2;
	v2 =	vmpcnt.ones.xlane vm0  }
0xac: {  	v3 =	vld [tilespmem:s25+$0x30]  }
0xad: {  	(v2sf) =	vpush v2, $0x0;
	_ =	sdelay $0x3  }
0xae: {  	v2 =	vand.u32 $0x3FFF, v3  }
0xaf: {  	vm6 =	vge.u32 v2, v0;
	vm7 =	vlt.u32 v2, v1  }
0xb0: {  	vm0 =	vmand vm6, vm7  }
0xb1: {  	v2 =	vmpcnt.ones.xlane vm0;
	_ =	sdelay $0x1  }
0xb2: {  	(v2sf) =	vpush v2, $0x0;
	_ =	sdelay $0x5  }
0xb3: {  	s31 =	spop (v2sf)  }
0xb4: {  	s29 =	sadd.s32 s29, s31  }
0xb5: {  	[tilespmem:s29+$0x5000] =	vst.msk vm0, v3  }
0xb6: {  	v2 =	vld [tilespmem:s25+$0x40];
	_ =	sdelay $0x4  }
0xb7: {  	v3 =	vand.u32 $0x3FFF, v2  }
0xb8: {  	vm8 =	vge.u32 v3, v0;
	vm9 =	vlt.u32 v3, v1;
	s0 =	spop (v2sf)  }
0xb9: {  	s29 =	sadd.s32 s29, s0;
	vm0 =	vmand vm8, vm9  }
0xba: {  	[tilespmem:s29+$0x5000] =	vst.msk vm0, v2;
	v2 =	vmpcnt.ones.xlane vm0  }
0xbb: {  	v3 =	vld [tilespmem:s25+$0x50]  }
0xbc: {  	(v2sf) =	vpush v2, $0x0;
	_ =	sdelay $0x3  }
0xbd: {  	v2 =	vand.u32 $0x3FFF, v3  }
0xbe: {  	vm10 =	vge.u32 v2, v0;
	vm11 =	vlt.u32 v2, v1  }
0xbf: {  	vm0 =	vmand vm10, vm11  }
0xc0: {  	v2 =	vmpcnt.ones.xlane vm0;
	_ =	sdelay $0x1  }
0xc1: {  	(v2sf) =	vpush v2, $0x0;
	_ =	sdelay $0x5  }
0xc2: {  	s2 =	spop (v2sf)  }
0xc3: {  	s29 =	sadd.s32 s29, s2  }
0xc4: {  	[tilespmem:s29+$0x5000] =	vst.msk vm0, v3  }
0xc5: {  	v2 =	vld [tilespmem:s25+$0x60];
	_ =	sdelay $0x4  }
0xc6: {  	v3 =	vand.u32 $0x3FFF, v2  }
0xc7: {  	vm12 =	vge.u32 v3, v0;
	vm13 =	vlt.u32 v3, v1;
	s3 =	spop (v2sf)  }
0xc8: {  	s29 =	sadd.s32 s29, s3;
	vm0 =	vmand vm12, vm13  }
0xc9: {  	[tilespmem:s29+$0x5000] =	vst.msk vm0, v2  }
0xca: {  	v2 =	vld [tilespmem:s25+$0x70];
	_ =	sdelay $0x4  }
0xcb: {  	v3 =	vand.u32 $0x3FFF, v2  }
0xcc: {  	vm14 =	vge.u32 v3, v0;
	vm2 =	vlt.u32 v3, v1  }
0xcd: {  	v3 =	vmpcnt.ones.xlane vm0;
	vm15 =	vmand vm14, vm2  }
0xce: {  	v4 =	vmpcnt.ones.xlane vm15  }
0xcf: {  	(v2sf) =	vpush v3, $0x0  }
0xd0: {  	(v2sf) =	vpush v4, $0x0;
	_ =	sdelay $0xd  }
0xd1: {  	s25 =	spop (v2sf)  }
0xd2: {  	s28 =	sshll.u32 s28, $0x2;
	s30 =	sshll.u32 s30, $0x2;
	s5 =	spop (v2sf)  }
0xd3: {  	s28 =	sadd.s32 s28, s30;
	s30 =	sshll.u32 s5, $0x2  }
0xd4: {  	s28 =	sadd.s32 s30, s28;
	s30 =	sshll.u32 s25, $0x2  }
0xd5: {  	s3 =	sshll.u32 s3, $0x2;
	s28 =	sadd.s32 s30, s28  }
0xd6: {  	s2 =	sshll.u32 s2, $0x2;
	s3 =	sadd.s32 s3, s28  }
0xd7: {  	s0 =	sshll.u32 s0, $0x2;
	s2 =	sadd.s32 s2, s3  }
0xd8: {  	s3 =	sshll.u32 s31, $0x2;
	s0 =	sadd.s32 s0, s2  }
0xd9: {  	s30 =	sshll.u32 s26, $0x2;
	s0 =	sadd.s32 s3, s0  }
0xda: {  	s0 =	sadd.s32 s30, s0  }
0xdb: {  	s0 =	sshra.s32 s0, $0x2  }
0xdc: {  	s31 =	sadd.s32 s29, s25;
	s0 =	sadd.s32 $0x5000, s0  }
0xdd: {  	[tilespmem:s31+$0x5000] =	vst.msk vm15, v2;
	v2 =	vmov s0;
	_ =	sdelay $0x3  }
0xde: {  	s26 =	simm.s32 $0x40;
	s28 =	simm.s32 $0x0;
	s25 =	sadd.s32 s31, s5  }
.LBB2_4:
0xdf: {  	p0 =	sne.s32 s26, $0x1000;
	[tilespmem:v2+s28+$0x0 ss:$0x1] =	vst.idx.msk $0xffff, v1;
	s0 =	smov.u32 s26;
	s26 =	sadd.s32 $0x40, s26  }
.Ltmp1:
0xe0: {  	(pc) =	sbr.rel @p0 .LBB2_4-.Ltmp1, $2  }
0xe1: {  	_ =	sdelay $0x2  }
0xe2: {  	s28 =	sshra.s32 s0, $0x2  }
0xe3: {  	_ =	sdelay $0x3  }
0xe4: {  	[tilespmem:v2+s28+$0x0 ss:$0x1] =	vst.idx.msk $0xffff, v1  }
0xe5: {  	v2 =	vld [tilespmem:$0x5000];
	_ =	sdelay $0x1  }
0xe6: {  	v3 =	vld [tilespmem:$0x5010];
	_ =	sdelay $0x1  }
0xe7: {  	v4 =	vld [tilespmem:$0x5020]  }
0xe8: {  	v5 =	vshrl.u32 v2, $0xE;
	v2 =	vand.u32 $0x3FFF, v2  }
0xe9: {  	v54 =	vld [tilespmem:$0x5030];
	[tilespmem:$0xA428] =	vst v5;
	v2 =	vsub.s32 v2, v0  }
0xea: {  	[tilespmem:$0xA528] =	vst v2;
	v2 =	vshrl.u32 v3, $0xE;
	v3 =	vand.u32 $0x3FFF, v3  }
0xeb: {  	[tilespmem:$0xA438] =	vst v2;
	v2 =	vsub.s32 v3, v0;
	v3 =	vld [tilespmem:$0x5040]  }
0xec: {  	[tilespmem:$0xA538] =	vst v2;
	v2 =	vshrl.u32 v4, $0xE;
	v4 =	vand.u32 $0x3FFF, v4  }
0xed: {  	v55 =	vld [tilespmem:$0x5050];
	[tilespmem:$0xA448] =	vst v2;
	v2 =	vsub.s32 v4, v0  }
0xee: {  	v5 =	vand.u32 $0x3FFF, v54;
	[tilespmem:$0xA548] =	vst v2;
	v2 =	vshrl.u32 v54, $0xE  }
0xef: {  	v56 =	vld [tilespmem:$0x5060];
	[tilespmem:$0xA458] =	vst v2;
	v2 =	vsub.s32 v5, v0  }
0xf0: {  	[tilespmem:$0xA558] =	vst v2;
	v2 =	vshrl.u32 v3, $0xE;
	v3 =	vand.u32 $0x3FFF, v3  }
0xf1: {  	[tilespmem:$0xA468] =	vst v2;
	v2 =	vsub.s32 v3, v0;
	v3 =	vld [tilespmem:$0x5070]  }
0xf2: {  	v4 =	vand.u32 $0x3FFF, v55;
	[tilespmem:$0xA568] =	vst v2;
	v2 =	vshrl.u32 v55, $0xE  }
0xf3: {  	[tilespmem:$0xA478] =	vst v2;
	v2 =	vsub.s32 v4, v0  }
0xf4: {  	v57 =	vand.u32 $0x3FFF, v56;
	[tilespmem:$0xA578] =	vst v2;
	v2 =	vshrl.u32 v56, $0xE  }
0xf5: {  	[tilespmem:$0xA488] =	vst v2;
	v2 =	vsub.s32 v57, v0  }
0xf6: {  	[tilespmem:$0xA588] =	vst v2;
	v2 =	vshrl.u32 v3, $0xE;
	v3 =	vand.u32 $0x3FFF, v3  }
0xf7: {  	[tilespmem:$0xA498] =	vst v2;
	v2 =	vsub.s32 v3, v0  }
0xf8: {  	[tilespmem:$0xA598] =	vst v2  }
0xf9: {  	[tilespmem:s15], [sflag:$0x1] =	stream.indirect.gather [hbm4b:s4+s13], $0x80, s14, s13, $0xb8;
	[tilespmem:$0x1CA28] =	vst v63  }
0xfa: {  	_ =	swait.ge [sflag:s12], $0x4000  }
0xfb: {  	[sflag:s12] =	ssyncset.done $0x0  }
0xfc: {  	[sflag:s12] =	ssyncadd.s32 $0xFFFFC000  }
0xfd: {  	v2 =	vld [tilespmem:$0x5080];
	_ =	sdelay $0x1  }
0xfe: {  	v3 =	vld [tilespmem:$0x5090];
	_ =	sdelay $0x1  }
0xff: {  	v58 =	vld [tilespmem:$0x50A0]  }
0x100: {  	v59 =	vshrl.u32 v2, $0xE;
	v2 =	vand.u32 $0x3FFF, v2  }
0x101: {  	v60 =	vld [tilespmem:$0x50B0];
	[tilespmem:$0xA4A8] =	vst v59;
	v2 =	vsub.s32 v2, v0  }
0x102: {  	[tilespmem:$0xA5A8] =	vst v2;
	v2 =	vshrl.u32 v3, $0xE;
	v3 =	vand.u32 $0x3FFF, v3  }
0x103: {  	[tilespmem:$0xA4B8] =	vst v2;
	v2 =	vsub.s32 v3, v0;
	v3 =	vld [tilespmem:$0x50C0]  }
0x104: {  	v4 =	vand.u32 $0x3FFF, v58;
	[tilespmem:$0xA5B8] =	vst v2;
	v2 =	vshrl.u32 v58, $0xE  }
0x105: {  	v61 =	vld [tilespmem:$0x50D0];
	[tilespmem:$0xA4C8] =	vst v2;
	v2 =	vsub.s32 v4, v0  }
0x106: {  	v5 =	vand.u32 $0x3FFF, v60;
	[tilespmem:$0xA5C8] =	vst v2;
	v2 =	vshrl.u32 v60, $0xE  }
0x107: {  	v62 =	vld [tilespmem:$0x50E0];
	[tilespmem:$0xA4D8] =	vst v2;
	v2 =	vsub.s32 v5, v0  }
0x108: {  	[tilespmem:$0xA5D8] =	vst v2;
	v2 =	vshrl.u32 v3, $0xE;
	v3 =	vand.u32 $0x3FFF, v3  }
0x109: {  	[tilespmem:$0xA4E8] =	vst v2;
	v2 =	vsub.s32 v3, v0;
	v3 =	vld [tilespmem:$0x50F0]  }
0x10a: {  	v4 =	vand.u32 $0x3FFF, v61;
	[tilespmem:$0xA5E8] =	vst v2;
	v2 =	vshrl.u32 v61, $0xE  }
0x10b: {  	[tilespmem:$0xA4F8] =	vst v2;
	v2 =	vsub.s32 v4, v0  }
0x10c: {  	v63 =	vand.u32 $0x3FFF, v62;
	[tilespmem:$0xA5F8] =	vst v2;
	v2 =	vshrl.u32 v62, $0xE  }
0x10d: {  	[tilespmem:$0xA508] =	vst v2;
	v2 =	vsub.s32 v63, v0  }
0x10e: {  	[tilespmem:$0xA608] =	vst v2;
	v2 =	vshrl.u32 v3, $0xE;
	v3 =	vand.u32 $0x3FFF, v3  }
0x10f: {  	[tilespmem:$0xA518] =	vst v2;
	v2 =	vsub.s32 v3, v0  }
0x110: {  	[tilespmem:$0xA618] =	vst v2  }
0x111: {  	[tilespmem:s17], [sflag:$0x2] =	stream.indirect.gather [hbm4b:s4+s13], $0x80, s16, s13, $0xb8;
	[tilespmem:$0x1CA28] =	vst v63  }
0x112: {  	_ = 	snop  }
0x113: {  	[spmem:s1] =	stream.indirect.scatter.add.f32 [tilespmem:s15], [sflag:$0x3], $0x80, s18, s13, $0xb8;
	[tilespmem:$0x1CA28] =	vst v63  }
0x114: {  	_ =	swait.ge [sflag:s19], $0x4000  }
0x115: {  	[sflag:s19] =	ssyncset.done $0x0  }
0x116: {  	[sflag:s19] =	ssyncadd.s32 $0xFFFFC000  }
0x117: {  	_ =	swait.ge [sflag:s20], $0x4000  }
0x118: {  	[sflag:s20] =	ssyncset.done $0x0  }
0x119: {  	s26 =	simm.s32 $0x51F0;
	[sflag:s20] =	ssyncadd.s32 $0xFFFFC000  }
0x11a: {  	v2 =	vld [tilespmem:s26+$0xFFFFFF10];
	_ =	sdelay $0x4  }
0x11b: {  	v3 =	vshrl.u32 v2, $0xE;
	v2 =	vand.u32 $0x3FFF, v2  }
0x11c: {  	[tilespmem:$0xA428] =	vst v3;
	v2 =	vsub.s32 v2, v0  }
0x11d: {  	[tilespmem:$0xA528] =	vst v2  }
0x11e: {  	v2 =	vld [tilespmem:s26+$0xFFFFFF20];
	_ =	sdelay $0x4  }
0x11f: {  	v3 =	vshrl.u32 v2, $0xE;
	v2 =	vand.u32 $0x3FFF, v2  }
0x120: {  	[tilespmem:$0xA438] =	vst v3;
	v2 =	vsub.s32 v2, v0  }
0x121: {  	[tilespmem:$0xA538] =	vst v2  }
0x122: {  	v2 =	vld [tilespmem:s26+$0xFFFFFF30];
	_ =	sdelay $0x4  }
0x123: {  	v3 =	vshrl.u32 v2, $0xE;
	v2 =	vand.u32 $0x3FFF, v2  }
0x124: {  	[tilespmem:$0xA448] =	vst v3;
	v2 =	vsub.s32 v2, v0  }
0x125: {  	[tilespmem:$0xA548] =	vst v2  }
0x126: {  	v2 =	vld [tilespmem:s26+$0xFFFFFF40];
	_ =	sdelay $0x4  }
0x127: {  	v3 =	vshrl.u32 v2, $0xE;
	v2 =	vand.u32 $0x3FFF, v2  }
0x128: {  	[tilespmem:$0xA458] =	vst v3;
	v2 =	vsub.s32 v2, v0  }
0x129: {  	[tilespmem:$0xA558] =	vst v2  }
0x12a: {  	v2 =	vld [tilespmem:s26+$0xFFFFFF50];
	_ =	sdelay $0x4  }
0x12b: {  	v3 =	vshrl.u32 v2, $0xE;
	v2 =	vand.u32 $0x3FFF, v2  }
0x12c: {  	[tilespmem:$0xA468] =	vst v3;
	v2 =	vsub.s32 v2, v0  }
0x12d: {  	[tilespmem:$0xA568] =	vst v2  }
0x12e: {  	v2 =	vld [tilespmem:s26+$0xFFFFFF60];
	_ =	sdelay $0x4  }
0x12f: {  	v3 =	vshrl.u32 v2, $0xE;
	v2 =	vand.u32 $0x3FFF, v2  }
0x130: {  	[tilespmem:$0xA478] =	vst v3;
	v2 =	vsub.s32 v2, v0  }
0x131: {  	[tilespmem:$0xA578] =	vst v2  }
0x132: {  	v2 =	vld [tilespmem:s26+$0xFFFFFF70];
	_ =	sdelay $0x4  }
0x133: {  	v3 =	vshrl.u32 v2, $0xE;
	v2 =	vand.u32 $0x3FFF, v2  }
0x134: {  	[tilespmem:$0xA488] =	vst v3;
	v2 =	vsub.s32 v2, v0  }
0x135: {  	[tilespmem:$0xA588] =	vst v2  }
0x136: {  	v2 =	vld [tilespmem:s26+$0xFFFFFF80];
	_ =	sdelay $0x4  }
0x137: {  	v3 =	vshrl.u32 v2, $0xE;
	v2 =	vand.u32 $0x3FFF, v2  }
0x138: {  	[tilespmem:$0xA498] =	vst v3;
	v2 =	vsub.s32 v2, v0  }
0x139: {  	[tilespmem:$0xA598] =	vst v2  }
0x13a: {  	[tilespmem:s15], [sflag:$0x1] =	stream.indirect.gather [hbm4b:s4+s13], $0x80, s14, s13, $0xb8;
	[tilespmem:$0x1CA28] =	vst v63  }
0x13b: {  	_ = 	snop  }
0x13c: {  	[spmem:s1] =	stream.indirect.scatter.add.f32 [tilespmem:s17], [sflag:$0x4], $0x80, s21, s13, $0xb8;
	[tilespmem:$0x1CA28] =	vst v63  }
0x13d: {  	_ =	swait.ge [sflag:s12], $0x4000  }
0x13e: {  	[sflag:s12] =	ssyncset.done $0x0  }
0x13f: {  	[sflag:s12] =	ssyncadd.s32 $0xFFFFC000  }
0x140: {  	_ =	swait.ge [sflag:s22], $0x4000  }
0x141: {  	[sflag:s22] =	ssyncset.done $0x0  }
0x142: {  	[sflag:s22] =	ssyncadd.s32 $0xFFFFC000  }
0x143: {  	v2 =	vld [tilespmem:s26+$0xFFFFFF90];
	_ =	sdelay $0x4  }
0x144: {  	v3 =	vshrl.u32 v2, $0xE;
	v2 =	vand.u32 $0x3FFF, v2  }
0x145: {  	[tilespmem:$0xA4A8] =	vst v3;
	v2 =	vsub.s32 v2, v0  }
0x146: {  	[tilespmem:$0xA5A8] =	vst v2  }
0x147: {  	v2 =	vld [tilespmem:s26+$0xFFFFFFA0];
	_ =	sdelay $0x4  }
0x148: {  	v3 =	vshrl.u32 v2, $0xE;
	v2 =	vand.u32 $0x3FFF, v2  }
0x149: {  	[tilespmem:$0xA4B8] =	vst v3;
	v2 =	vsub.s32 v2, v0  }
0x14a: {  	[tilespmem:$0xA5B8] =	vst v2  }
0x14b: {  	v2 =	vld [tilespmem:s26+$0xFFFFFFB0];
	_ =	sdelay $0x4  }
0x14c: {  	v3 =	vshrl.u32 v2, $0xE;
	v2 =	vand.u32 $0x3FFF, v2  }
0x14d: {  	[tilespmem:$0xA4C8] =	vst v3;
	v2 =	vsub.s32 v2, v0  }
0x14e: {  	[tilespmem:$0xA5C8] =	vst v2  }
0x14f: {  	v2 =	vld [tilespmem:s26+$0xFFFFFFC0];
	_ =	sdelay $0x4  }
0x150: {  	v3 =	vshrl.u32 v2, $0xE;
	v2 =	vand.u32 $0x3FFF, v2  }
0x151: {  	[tilespmem:$0xA4D8] =	vst v3;
	v2 =	vsub.s32 v2, v0  }
0x152: {  	[tilespmem:$0xA5D8] =	vst v2  }
0x153: {  	v2 =	vld [tilespmem:s26+$0xFFFFFFD0];
	_ =	sdelay $0x4  }
0x154: {  	v3 =	vshrl.u32 v2, $0xE;
	v2 =	vand.u32 $0x3FFF, v2  }
0x155: {  	[tilespmem:$0xA4E8] =	vst v3;
	v2 =	vsub.s32 v2, v0  }
0x156: {  	[tilespmem:$0xA5E8] =	vst v2  }
0x157: {  	s0 =	sadd.s32 $0x7F, s25;
	v2 =	vld [tilespmem:s26+$0xFFFFFFE0]  }
0x158: {  	s2 =	sand.u32 $0x7F, s0  }
0x159: {  	s3 =	sshra.s32 s0, $0x1F;
	p0 =	slt.s32 s0, $0x1;
	p1 =	sne.s32 s2, $0x0  }
0x15a: {  	s29 =	sshrl.u32 s3, $0x19;
	p0 =	por !p0, !p1  }
0x15b: {  	s2 =	simm.s32 $0x1;
	s0 =	sadd.s32 s29, s0;
	p0 =	por !p0, !p0  }
0x15c: {  	s0 =	sshra.s32 s0, $0x7;
	s2 =	simm.s32 @!p0 $0x0;
	v3 =	vshrl.u32 v2, $0xE;
	v2 =	vand.u32 $0x3FFF, v2  }
0x15d: {  	s0 =	ssub.s32 s0, s2;
	[tilespmem:$0xA4F8] =	vst v3;
	v2 =	vsub.s32 v2, v0  }
0x15e: {  	s2 =	sadd.s32 $0x1, s0;
	[tilespmem:$0xA5F8] =	vst v2  }
0x15f: {  	s30 =	sand.u32 $0x1, s2;
	v2 =	vld [tilespmem:s26+$0xFFFFFFF0]  }
0x160: {  	p5 =	slt.s32 s0, $0x0;
	p6 =	seq.s32 s30, $0x1  }
0x161: {  	s31 =	sshrl.u32 s2, $0x1F;
	p0 =	por !p5, !p6  }
0x162: {  	s0 =	sadd.s32 s31, s2;
	s2 =	simm.s32 $0x1;
	p0 =	por !p0, !p0  }
0x163: {  	s0 =	sshrl.u32 s0, $0x1;
	s2 =	simm.s32 @!p0 $0x0  }
0x164: {  	s0 =	ssub.s32 s0, s2;
	v3 =	vshrl.u32 v2, $0xE;
	v2 =	vand.u32 $0x3FFF, v2  }
0x165: {  	s0 =	sshll.u32 s0, $0x1;
	[tilespmem:$0xA508] =	vst v3;
	v2 =	vsub.s32 v2, v0  }
0x166: {  	p0 =	sgt.s32 s0, $0x4;
	[tilespmem:$0xA608] =	vst v2  }
0x167: {  	s0 =	simm.s32 @!p0 $0x4;
	v2 =	vld [tilespmem:s26+$0x0]  }
0x168: {  	s0 =	sadd.s32 $0xFFFFFFFE, s0  }
0x169: {  	s0 =	sshrl.u32 s0, $0x1  }
0x16a: {  	p0 =	sne.s32 s0, $0x1  }
.Ltmp2:
0x16b: {  	_ = 	snop;
	(pc) =	sbr.rel @!p0 .LBB2_7-.Ltmp2, $4  }
0x16c: {  	v3 =	vshrl.u32 v2, $0xE;
	v2 =	vand.u32 $0x3FFF, v2  }
0x16d: {  	[tilespmem:$0xA518] =	vst v3;
	v2 =	vsub.s32 v2, v0  }
0x16e: {  	s25 =	sadd.s32 $0xFFFFFFFF, s0;
	s26 =	simm.s32 $0x52F0;
	[tilespmem:$0xA618] =	vst v2  }
0x16f: {  	[tilespmem:s17], [sflag:$0x2] =	stream.indirect.gather [hbm4b:s4+s13], $0x80, s16, s13, $0xb8;
	[tilespmem:$0x1CA28] =	vst v63  }
.LBB2_6:
0x170: {  	[spmem:s1] =	stream.indirect.scatter.add.f32 [tilespmem:s15], [sflag:$0x3], $0x80, s18, s13, $0xb8;
	[tilespmem:$0x1CA28] =	vst v63  }
0x171: {  	p0 =	sne.s32 s25, $0x1;
	s25 =	sadd.s32 $0xFFFFFFFF, s25;
	_ =	swait.ge [sflag:s19], $0x4000  }
0x172: {  	[sflag:s19] =	ssyncset.done $0x0  }
0x173: {  	[sflag:s19] =	ssyncadd.s32 $0xFFFFC000  }
0x174: {  	_ =	swait.ge [sflag:s20], $0x4000  }
0x175: {  	[sflag:s20] =	ssyncset.done $0x0  }
0x176: {  	[sflag:s20] =	ssyncadd.s32 $0xFFFFC000  }
0x177: {  	v2 =	vld [tilespmem:s26+$0xFFFFFF10];
	_ =	sdelay $0x4  }
0x178: {  	v3 =	vshrl.u32 v2, $0xE;
	v2 =	vand.u32 $0x3FFF, v2  }
0x179: {  	[tilespmem:$0xA428] =	vst v3;
	v2 =	vsub.s32 v2, v0  }
0x17a: {  	[tilespmem:$0xA528] =	vst v2  }
0x17b: {  	v2 =	vld [tilespmem:s26+$0xFFFFFF20];
	_ =	sdelay $0x4  }
0x17c: {  	v3 =	vshrl.u32 v2, $0xE;
	v2 =	vand.u32 $0x3FFF, v2  }
0x17d: {  	[tilespmem:$0xA438] =	vst v3;
	v2 =	vsub.s32 v2, v0  }
0x17e: {  	[tilespmem:$0xA538] =	vst v2  }
0x17f: {  	v2 =	vld [tilespmem:s26+$0xFFFFFF30];
	_ =	sdelay $0x4  }
0x180: {  	v3 =	vshrl.u32 v2, $0xE;
	v2 =	vand.u32 $0x3FFF, v2  }
0x181: {  	[tilespmem:$0xA448] =	vst v3;
	v2 =	vsub.s32 v2, v0  }
0x182: {  	[tilespmem:$0xA548] =	vst v2  }
0x183: {  	v2 =	vld [tilespmem:s26+$0xFFFFFF40];
	_ =	sdelay $0x4  }
0x184: {  	v3 =	vshrl.u32 v2, $0xE;
	v2 =	vand.u32 $0x3FFF, v2  }
0x185: {  	[tilespmem:$0xA458] =	vst v3;
	v2 =	vsub.s32 v2, v0  }
0x186: {  	[tilespmem:$0xA558] =	vst v2  }
0x187: {  	v2 =	vld [tilespmem:s26+$0xFFFFFF50];
	_ =	sdelay $0x4  }
0x188: {  	v3 =	vshrl.u32 v2, $0xE;
	v2 =	vand.u32 $0x3FFF, v2  }
0x189: {  	[tilespmem:$0xA468] =	vst v3;
	v2 =	vsub.s32 v2, v0  }
0x18a: {  	[tilespmem:$0xA568] =	vst v2  }
0x18b: {  	v2 =	vld [tilespmem:s26+$0xFFFFFF60];
	_ =	sdelay $0x4  }
0x18c: {  	v3 =	vshrl.u32 v2, $0xE;
	v2 =	vand.u32 $0x3FFF, v2  }
0x18d: {  	[tilespmem:$0xA478] =	vst v3;
	v2 =	vsub.s32 v2, v0  }
0x18e: {  	[tilespmem:$0xA578] =	vst v2  }
0x18f: {  	v2 =	vld [tilespmem:s26+$0xFFFFFF70];
	_ =	sdelay $0x4  }
0x190: {  	v3 =	vshrl.u32 v2, $0xE;
	v2 =	vand.u32 $0x3FFF, v2  }
0x191: {  	[tilespmem:$0xA488] =	vst v3;
	v2 =	vsub.s32 v2, v0  }
0x192: {  	[tilespmem:$0xA588] =	vst v2  }
0x193: {  	v2 =	vld [tilespmem:s26+$0xFFFFFF80];
	_ =	sdelay $0x4  }
0x194: {  	v3 =	vshrl.u32 v2, $0xE;
	v2 =	vand.u32 $0x3FFF, v2  }
0x195: {  	[tilespmem:$0xA498] =	vst v3;
	v2 =	vsub.s32 v2, v0  }
0x196: {  	[tilespmem:$0xA598] =	vst v2  }
0x197: {  	[tilespmem:s15], [sflag:$0x1] =	stream.indirect.gather [hbm4b:s4+s13], $0x80, s14, s13, $0xb8;
	[tilespmem:$0x1CA28] =	vst v63  }
0x198: {  	_ = 	snop  }
0x199: {  	[spmem:s1] =	stream.indirect.scatter.add.f32 [tilespmem:s17], [sflag:$0x4], $0x80, s21, s13, $0xb8;
	[tilespmem:$0x1CA28] =	vst v63  }
0x19a: {  	_ =	swait.ge [sflag:s12], $0x4000  }
0x19b: {  	[sflag:s12] =	ssyncset.done $0x0  }
0x19c: {  	[sflag:s12] =	ssyncadd.s32 $0xFFFFC000  }
0x19d: {  	_ =	swait.ge [sflag:s22], $0x4000  }
0x19e: {  	[sflag:s22] =	ssyncset.done $0x0  }
0x19f: {  	[sflag:s22] =	ssyncadd.s32 $0xFFFFC000  }
0x1a0: {  	v2 =	vld [tilespmem:s26+$0xFFFFFF90];
	_ =	sdelay $0x4  }
0x1a1: {  	v3 =	vshrl.u32 v2, $0xE;
	v2 =	vand.u32 $0x3FFF, v2  }
0x1a2: {  	[tilespmem:$0xA4A8] =	vst v3;
	v2 =	vsub.s32 v2, v0  }
0x1a3: {  	[tilespmem:$0xA5A8] =	vst v2  }
0x1a4: {  	v2 =	vld [tilespmem:s26+$0xFFFFFFA0];
	_ =	sdelay $0x4  }
0x1a5: {  	v3 =	vshrl.u32 v2, $0xE;
	v2 =	vand.u32 $0x3FFF, v2  }
0x1a6: {  	[tilespmem:$0xA4B8] =	vst v3;
	v2 =	vsub.s32 v2, v0  }
0x1a7: {  	[tilespmem:$0xA5B8] =	vst v2  }
0x1a8: {  	v2 =	vld [tilespmem:s26+$0xFFFFFFB0];
	_ =	sdelay $0x4  }
0x1a9: {  	v3 =	vshrl.u32 v2, $0xE;
	v2 =	vand.u32 $0x3FFF, v2  }
0x1aa: {  	[tilespmem:$0xA4C8] =	vst v3;
	v2 =	vsub.s32 v2, v0  }
0x1ab: {  	[tilespmem:$0xA5C8] =	vst v2  }
0x1ac: {  	v2 =	vld [tilespmem:s26+$0xFFFFFFC0];
	_ =	sdelay $0x4  }
0x1ad: {  	v3 =	vshrl.u32 v2, $0xE;
	v2 =	vand.u32 $0x3FFF, v2  }
0x1ae: {  	[tilespmem:$0xA4D8] =	vst v3;
	v2 =	vsub.s32 v2, v0  }
0x1af: {  	[tilespmem:$0xA5D8] =	vst v2  }
0x1b0: {  	v2 =	vld [tilespmem:s26+$0xFFFFFFD0];
	_ =	sdelay $0x4  }
0x1b1: {  	v3 =	vshrl.u32 v2, $0xE;
	v2 =	vand.u32 $0x3FFF, v2  }
0x1b2: {  	[tilespmem:$0xA4E8] =	vst v3;
	v2 =	vsub.s32 v2, v0  }
0x1b3: {  	[tilespmem:$0xA5E8] =	vst v2  }
0x1b4: {  	v2 =	vld [tilespmem:s26+$0xFFFFFFE0];
	_ =	sdelay $0x4  }
0x1b5: {  	v3 =	vshrl.u32 v2, $0xE;
	v2 =	vand.u32 $0x3FFF, v2  }
0x1b6: {  	[tilespmem:$0xA4F8] =	vst v3;
	v2 =	vsub.s32 v2, v0  }
0x1b7: {  	[tilespmem:$0xA5F8] =	vst v2  }
0x1b8: {  	v2 =	vld [tilespmem:s26+$0xFFFFFFF0];
	_ =	sdelay $0x4  }
0x1b9: {  	v3 =	vshrl.u32 v2, $0xE;
	v2 =	vand.u32 $0x3FFF, v2  }
0x1ba: {  	[tilespmem:$0xA508] =	vst v3;
	v2 =	vsub.s32 v2, v0  }
0x1bb: {  	[tilespmem:$0xA608] =	vst v2  }
0x1bc: {  	v2 =	vld [tilespmem:s26+$0x0];
	_ =	sdelay $0x4  }
.Ltmp3:
0x1bd: {  	v3 =	vshrl.u32 v2, $0xE;
	v2 =	vand.u32 $0x3FFF, v2;
	(pc) =	sbr.rel @p0 .LBB2_6-.Ltmp3, $4  }
0x1be: {  	[tilespmem:$0xA518] =	vst v3;
	v2 =	vsub.s32 v2, v0  }
0x1bf: {  	[tilespmem:$0xA618] =	vst v2  }
0x1c0: {  	[tilespmem:s17], [sflag:$0x2] =	stream.indirect.gather [hbm4b:s4+s13], $0x80, s16, s13, $0xb8;
	[tilespmem:$0x1CA28] =	vst v63  }
0x1c1: {  	s26 =	sadd.s32 $0x100, s26  }
.LBB2_7:
0x1c2: {  	[spmem:s1] =	stream.indirect.scatter.add.f32 [tilespmem:s15], [sflag:$0x3], $0x80, s18, s13, $0xb8;
	[tilespmem:$0x1CA28] =	vst v63  }
0x1c3: {  	_ =	swait.ge [sflag:s19], $0x4000  }
0x1c4: {  	[sflag:s19] =	ssyncset.done $0x0  }
0x1c5: {  	[sflag:s19] =	ssyncadd.s32 $0xFFFFC000  }
0x1c6: {  	[spmem:s1] =	stream.indirect.scatter.add.f32 [tilespmem:s17], [sflag:$0x4], $0x80, s21, s13, $0xb8;
	[tilespmem:$0x1CA28] =	vst v63  }
0x1c7: {  	_ =	swait.ge [sflag:s20], $0x4000  }
0x1c8: {  	[sflag:s20] =	ssyncset.done $0x0  }
0x1c9: {  	[sflag:s20] =	ssyncadd.s32 $0xFFFFC000  }
0x1ca: {  	_ =	swait.ge [sflag:s22], $0x4000  }
0x1cb: {  	s24 =	sadd.s32 $0x1, s24;
	[sflag:s22] =	ssyncset.done $0x0  }
0x1cc: {  	p0 =	sne.s32 s24, s8;
	[sflag:s22] =	ssyncadd.s32 $0xFFFFC000  }
.Ltmp4:
0x1cd: {  	[bflag:$0x0] =	sbarrier.arrive $0xFFFF;
	(pc) =	sbr.rel @p0 .LBB2_1-.Ltmp4, $4  }
0x1ce: {  	[hbm:s7], [sflag:s10] =	dma.local [spmem:s23], $0x1400  }
0x1cf: {  	_ =	swait.ge [sflag:s9], $0x1400  }
0x1d0: {  	[sflag:s9] =	ssyncset.done $0x0  }
0x1d1: {  	[sflag:s9] =	ssyncadd.s32 $0xFFFFEC00  }
0x1d2: {  	_ =	sfence.sel $0x180000  }
0x1d3: {  	[bflag:$0x0] =	sbarrier.arrive $0xFFFF  }
0x1d4: {  	_ =	strace $0x90000047  }
0x1d5: {  	s0 =	stileid.u32;
	[bflag:$0x2] =	sbarrier.arrive $0xFFFF  }
0x1d6: {  	p0 =	sne.s32 s0, $0x0;
	s0 =	rddreg [dreg:$0x3]  }
0x1d7: {  	s0 =	sadd.s32 @!p0 $0x100000, s0  }
0x1d8: {  	[sflag:s0] =	ssyncadd.tile.s32 @!p0 $0x1;
	_ =	shalt  }
.Lfunc_end2:
_tile_overlayer_lowered:
.L_overlay_start_2:
0x1d9: {  	(tag) =	ssettag $0x2  }
0x1da: {  	s0 =	rddreg [dreg:$0x0];
	s2 =	stileid.u32  }
0x1db: {  	s1 =	rddreg [dreg:$0x1];
	p0 =	sne.s32 s2, $0x0  }
0x1dc: {  	s3 =	rddreg [dreg:$0x2];
	[bflag:$0x3] =	sbarrier.arrive $0xFFFF;
	s2 =	simm.s32 @!p0 $0x1C05  }
0x1dd: {  	[timem:s3], [sflag:s2] =	dma.local @!p0 [hbm:s0], s1  }
0x1de: {  	s0 =	simm.s32 @!p0 $0x5  }
0x1df: {  	_ =	swait.ge @!p0 [sflag:s0], s1  }
0x1e0: {  	s1 =	ssub.s32 @!p0 $0x0, s1;
	[sflag:s0] =	ssyncset.done @!p0 $0x0  }
0x1e1: {  	[sflag:s0] =	ssyncadd.s32 @!p0 s1  }
0x1e2: {  	[bflag:$0x3] =	sbarrier.arrive $0xFFFF  }
0x1e3: {  	_ =	shalt  }

</sc_bundles>
